<compile_context>
chip_gen: v7x
topology: tpu7x:2x2x1
jax: 0.10.2.dev20260603
libtpu: 0.0.44.dev20260713+nightly
codegen_flags: <defaults>
</compile_context>

<pallas_src>
import functools

import jax
import jax.numpy as jnp
from jax import lax
from jax.experimental import pallas as pl
from jax.experimental.pallas import tpu as pltpu
from jax.experimental.pallas import tpu_sc as plsc

N = 10000
E = 160000
C = 128
FC = 64

NC = 2
NS = 16

EPT = E // NS
CH = 80
NCH = EPT // CH
NSLOT = 4
RPT = ((-(-N // NS) + 7) // 8) * 8

BE = 1280
NB = E // BE


def _tc_body(esT_ref, attrT_ref, sel_ref, w1_ref, b1_ref, lng_ref, lnb_ref,
             w2ct_ref, offc_ref, bias_ref, y_ref):
    h = lax.dot_general(esT_ref[...], w1_ref[...],
                        dimension_numbers=(((0,), (1,)), ((), ())),
                        preferred_element_type=jnp.float32) + b1_ref[...]
    m = jnp.mean(h, axis=1, keepdims=True)
    hc = h - m
    v = jnp.mean(hc * hc, axis=1, keepdims=True)
    h = hc * lax.rsqrt(v + 1e-5) * lng_ref[...] + lnb_ref[...]
    h = h * jax.nn.sigmoid(h)
    g = jnp.dot(h, w2ct_ref[...], preferred_element_type=jnp.float32) + offc_ref[...]
    sc = lax.dot_general(attrT_ref[...], sel_ref[...],
                         dimension_numbers=(((0,), (0,)), ((), ())),
                         preferred_element_type=jnp.float32)
    a = g[:, :C]
    b = g[:, C:]
    y_ref[0] = sc[:, 0:C] * a + bias_ref[...]
    y_ref[1] = sc[:, C:2 * C] * b
    y_ref[2] = sc[:, 2 * C:3 * C] * b
    y_ref[3] = sc[:, 3 * C:] * b


def _tc_stage(esT, attrT, sel, w1, b1, lng, lnb, w2ct, offc, bias):
    return pl.pallas_call(
        _tc_body,
        grid=(NB,),
        in_specs=[
            pl.BlockSpec((FC, BE), lambda i: (0, i)),
            pl.BlockSpec((4, BE), lambda i: (0, i)),
            pl.BlockSpec((4, 4 * C), lambda i: (0, 0)),
            pl.BlockSpec((FC, FC), lambda i: (0, 0)),
            pl.BlockSpec((1, FC), lambda i: (0, 0)),
            pl.BlockSpec((1, FC), lambda i: (0, 0)),
            pl.BlockSpec((1, FC), lambda i: (0, 0)),
            pl.BlockSpec((FC, 2 * C), lambda i: (0, 0)),
            pl.BlockSpec((1, 2 * C), lambda i: (0, 0)),
            pl.BlockSpec((1, C), lambda i: (0, 0)),
        ],
        out_specs=pl.BlockSpec((4, BE, C), lambda i: (0, i, 0)),
        out_shape=jax.ShapeDtypeStruct((4, E, C), jnp.float32),
        compiler_params=pltpu.CompilerParams(
            dimension_semantics=("arbitrary",)),
    )(esT, attrT, sel, w1, b1, lng, lnb, w2ct, offc, bias)


def _sc_body(y_hbm, dst_hbm, z_hbm, out_hbm,
             acc, yb0, yb1, yb2, yb3, db0, db1, db2, db3,
             sl0, sl1, sl2, sl3, ss0, ss1, ss2, ss3):
    ybs = (yb0, yb1, yb2, yb3)
    dbs = (db0, db1, db2, db3)
    sls = (sl0, sl1, sl2, sl3)
    sss = (ss0, ss1, ss2, ss3)
    c = lax.axis_index("c")
    s = lax.axis_index("s")
    ebase = s * EPT
    nbase = jnp.minimum(s * RPT, N - RPT)

    for j in range(2):
        comp = 2 * c + j
        row0 = comp * E + ebase

        pltpu.sync_copy(z_hbm, acc.at[pl.ds(nbase, RPT)])
        plsc.subcore_barrier()

        def load(k, b):
            pltpu.async_copy(y_hbm.at[pl.ds(row0 + k * CH, CH)],
                             ybs[b], sls[b])
            pltpu.async_copy(dst_hbm.at[pl.ds(ebase + k * CH, CH)],
                             dbs[b], sls[b])

        def waitload(b):
            pltpu.make_async_copy(y_hbm.at[pl.ds(row0, CH)],
                                  ybs[b], sls[b]).wait()
            pltpu.make_async_copy(dst_hbm.at[pl.ds(ebase, CH)],
                                  dbs[b], sls[b]).wait()

        def scat_start(b):
            pltpu.async_copy(ybs[b], acc.at[dbs[b]], sss[b], add=True)

        def scat_wait(b):
            pltpu.make_async_copy(ybs[b], acc.at[dbs[b]], sss[b]).wait()

        for b in range(NSLOT):
            load(b, b)

        def body(kk, carry):
            k0 = NSLOT * kk
            for b in range(NSLOT):
                @pl.when(k0 + b < NCH)
                def _(b=b):
                    waitload(b)
                    scat_start(b)
            for b in range(NSLOT):
                @pl.when(k0 + b < NCH)
                def _(b=b):
                    scat_wait(b)

                    @pl.when(k0 + b + NSLOT < NCH)
                    def _(b=b):
                        load(k0 + NSLOT + b, b)

            return carry

        lax.fori_loop(0, -(-NCH // NSLOT), body, 0)
        plsc.subcore_barrier()

        pltpu.sync_copy(acc.at[pl.ds(nbase, RPT)],
                        out_hbm.at[pl.ds(nbase, RPT), comp, :])


def _sc_scatter_call():
    return functools.partial(
        pl.kernel,
        out_type=jax.ShapeDtypeStruct((N, 4, C), jnp.float32),
        mesh=plsc.VectorSubcoreMesh(
            core_axis_name="c", subcore_axis_name="s",
            num_cores=NC, num_subcores=NS),
        scratch_types=(
            [pltpu.VMEM_SHARED((N, C), jnp.float32)]
            + [pltpu.VMEM((CH, C), jnp.float32)] * NSLOT
            + [pltpu.VMEM((CH,), jnp.int32)] * NSLOT
            + [pltpu.SemaphoreType.DMA] * (2 * NSLOT)
        ),
    )(_sc_body)


def kernel(node_input, edge_attr, edge_scalars, edge_src, edge_dst,
           W_exp, b_exp, W1, b1, ln_g, ln_b, W2, offset, W_proj, b_proj):
    s = W_exp.sum(axis=1) + b_exp[0]
    Wp = W_proj * s[None, :]
    w2c = jnp.concatenate([Wp @ W2[:C], Wp @ W2[C:]], axis=0) * 0.25
    offc = jnp.concatenate([Wp @ offset[:C], Wp @ offset[C:]]) * 0.25
    bias = b_proj[0] * 0.25
    sel = jnp.kron(jnp.eye(4, dtype=jnp.float32), jnp.ones((1, C), jnp.float32))

    y = _tc_stage(edge_scalars.T, edge_attr.T, sel, W1, b1[None], ln_g[None],
                  ln_b[None], w2c.T, offc[None], bias[None])

    return _sc_scatter_call()(y.reshape(4 * E, C), edge_dst,
                              jnp.zeros((RPT, C), jnp.float32))

# --- scband reference (transcript-rebuilt; emitter-appended) ---
"""Pipeline reference for scband-node-degree-embedding-network-65876208386286 (READ-ONLY COPY).

The authoritative reference and input builder live on the scoring server;
editing this copy changes nothing except your own understanding.
"""

import jax, jax.numpy as jnp
import numpy as np

N = 10000
E = 160000
C = 128
LMAX = 1
LM = (LMAX + 1) ** 2  # 4
FC = 64
WNUM = (LMAX + 1) * C  # weight_numel of the CP tensor product: one weight per l per channel
AVG_AGG = 16.0
L_OF_LM = [0, 1, 1, 1]  # l index for each lm component


def _layernorm(x, g, b, eps=1e-5):
    m = jnp.mean(x, axis=-1, keepdims=True)
    v = jnp.var(x, axis=-1, keepdims=True)
    return (x - m) / jnp.sqrt(v + eps) * g + b


def setup_inputs(seed: int = 0) -> dict:
    key = jax.random.key(seed)
    ks = jax.random.split(key, 14)
    inp = {}
    inp["node_input"] = jax.random.normal(ks[0], (N, LM, C), dtype=jnp.float32)
    inp["edge_attr"] = jax.random.normal(ks[1], (E, LM), dtype=jnp.float32)
    inp["edge_scalars"] = jax.random.normal(ks[2], (E, FC), dtype=jnp.float32)
    inp["edge_src"] = jax.random.randint(ks[3], (E,), 0, N, dtype=jnp.int32)
    inp["edge_dst"] = jax.random.randint(ks[4], (E,), 0, N, dtype=jnp.int32)
    # exp: Linear(C, C) with bias applied only to scalar channel
    inp["W_exp"] = jax.random.normal(ks[5], (C, C), dtype=jnp.float32) / np.sqrt(C)
    inp["b_exp"] = jnp.zeros((1, C), dtype=jnp.float32)
    # rad: RadialProfile([64, 64, WNUM]) = Linear(64,64,bias)+LN+SiLU+Linear(64,WNUM,no bias)+offset
    inp["W1"] = jax.random.normal(ks[6], (FC, FC), dtype=jnp.float32) / np.sqrt(FC)
    inp["b1"] = jnp.zeros((FC,), dtype=jnp.float32)
    inp["ln_g"] = jnp.ones((FC,), dtype=jnp.float32)
    inp["ln_b"] = jnp.zeros((FC,), dtype=jnp.float32)
    inp["W2"] = jax.random.normal(ks[7], (WNUM, FC), dtype=jnp.float32) / np.sqrt(FC)
    bound = 1.0 / np.sqrt(FC)
    inp["offset"] = jax.random.uniform(ks[8], (WNUM,), minval=-bound, maxval=bound, dtype=jnp.float32)
    # proj: Linear(C, C)
    inp["W_proj"] = jax.random.normal(ks[9], (C, C), dtype=jnp.float32) / np.sqrt(C)
    inp["b_proj"] = jnp.zeros((1, C), dtype=jnp.float32)
    return inp


def reference(node_input, edge_attr, edge_scalars, edge_src, edge_dst,
              W_exp, b_exp, W1, b1, ln_g, ln_b, W2, offset, W_proj, b_proj):
    n = node_input.shape[0]
    c = node_input.shape[2]
    # ones -> exp (Linear over last dim; bias added to scalar channel only)
    ones = jnp.ones((n, 1, c), dtype=node_input.dtype)
    scalar = jnp.einsum('nic,oc->nio', ones, W_exp) + b_exp  # [N,1,C]
    node_features = jnp.zeros_like(node_input).at[:, 0:1, :].set(scalar)
    # radial profile -> TP weights
    h = edge_scalars @ W1.T + b1
    h = _layernorm(h, ln_g, ln_b)
    h = jax.nn.silu(h)
    w = h @ W2.T + offset[None, :]  # [E, WNUM]
    w3 = w.reshape(-1, LMAX + 1, c)  # [E, lmax+1, C]
    l_idx = jnp.asarray(L_OF_LM, dtype=jnp.int32)
    w_lm = w3[:, l_idx, :]  # [E, LM, C]
    # CP tensor product with SH: gather src nodes, scalar channel x SH x per-(l,channel) weight
    x_e = node_features[edge_src]  # gather [E, LM, C]
    edge_features = x_e[:, 0:1, :] * edge_attr[:, :, None] * w_lm  # [E, LM, C]
    # proj (Linear with scalar-channel bias)
    ef = jnp.einsum('eic,oc->eio', edge_features, W_proj)
    ef = ef.at[:, 0, :].add(b_proj[0])
    # scaled scatter-add over dst nodes
    out = jax.ops.segment_sum(ef, edge_dst, num_segments=n)
    return out / jnp.sqrt(jnp.asarray(AVG_AGG, dtype=out.dtype))

if __name__ == "__main__":
    import jax
    _d = setup_inputs()
    print(jax.jit(kernel)(*tuple(_d.values())))

</pallas_src>

<mosaic_0001>
#map = affine_map<(d0, d1) -> (0, 0)>
#map1 = affine_map<(d0, d1) -> (0)>
#map2 = affine_map<(d0, d1) -> (0, 0, 0)>
module attributes {stable_mosaic.version = 14 : i64} {
  func.func @_sc_body(%arg0: i32, %arg1: i32, %arg2: memref<640000x128xf32, #tpu.memory_space<hbm>>, %arg3: memref<160000xi32, #tpu.memory_space<hbm>>, %arg4: memref<632x128xf32, #tpu.memory_space<hbm>>, %arg5: memref<10000x4x128xf32, #tpu.memory_space<hbm>>, %arg6: memref<10000x128xf32, #tpu.memory_space<vmem_shared>>, %arg7: memref<80x128xf32, #tpu.memory_space<vmem>>, %arg8: memref<80x128xf32, #tpu.memory_space<vmem>>, %arg9: memref<80x128xf32, #tpu.memory_space<vmem>>, %arg10: memref<80x128xf32, #tpu.memory_space<vmem>>, %arg11: memref<80xi32, #tpu.memory_space<vmem>>, %arg12: memref<80xi32, #tpu.memory_space<vmem>>, %arg13: memref<80xi32, #tpu.memory_space<vmem>>, %arg14: memref<80xi32, #tpu.memory_space<vmem>>, %arg15: memref<!tpu.dma_semaphore, #tpu.memory_space<semaphore_mem>>, %arg16: memref<!tpu.dma_semaphore, #tpu.memory_space<semaphore_mem>>, %arg17: memref<!tpu.dma_semaphore, #tpu.memory_space<semaphore_mem>>, %arg18: memref<!tpu.dma_semaphore, #tpu.memory_space<semaphore_mem>>, %arg19: memref<!tpu.dma_semaphore, #tpu.memory_space<semaphore_mem>>, %arg20: memref<!tpu.dma_semaphore, #tpu.memory_space<semaphore_mem>>, %arg21: memref<!tpu.dma_semaphore, #tpu.memory_space<semaphore_mem>>, %arg22: memref<!tpu.dma_semaphore, #tpu.memory_space<semaphore_mem>>) attributes {dimension_semantics = [#tpu.dimension_semantics<core_parallel>, #tpu.dimension_semantics<subcore_parallel>], iteration_bounds = array<i64: 2, 16>, scalar_prefetch = 0 : i64, scratch_operands = 17 : i64, tpu.core_type = #tpu.core_type<sc_vector_subcore>, window_params = [{transform_indices = #map}, {transform_indices = #map1}, {transform_indices = #map}, {transform_indices = #map2}]} {
    %mul3A = arith.constant 10000 : i32
    %mul3A_0 = arith.muli %arg1, %mul3A : i32
    %mul3A_1 = arith.constant 632 : i32
    %mul3A_2 = arith.muli %arg1, %mul3A_1 : i32
    %min3A = arith.constant 9368 : i32
    %min3A_3 = arith.minsi %mul3A_2, %min3A : i32
    %mul3A_4 = arith.constant 2 : i32
    %mul3A_5 = arith.muli %mul3A_4, %arg0 : i32
    %add3A = arith.constant 0 : i32
    %add3A_6 = arith.addi %mul3A_5, %add3A : i32
    %mul3A_7 = arith.constant 160000 : i32
    %mul3A_8 = arith.muli %add3A_6, %mul3A_7 : i32
    %add3A_9 = arith.addi %mul3A_8, %mul3A_0 : i32
    "tpu.region"() ({
      %run_scoped3A = tpu.sem_alloc : memref<!tpu.dma_semaphore, #tpu.memory_space<semaphore_mem>>
      %dma_start3A_110 = arith.constant 0 : i32
      %dma_start3A_111 = tpu.memref_slice %arg6[%min3A_3, %dma_start3A_110] : memref<10000x128xf32, #tpu.memory_space<vmem_shared>> -> memref<632x128xf32, #tpu.memory_space<vmem_shared>>
      tpu.enqueue_dma source(%arg4 : memref<632x128xf32, #tpu.memory_space<hbm>>) target(%dma_start3A_111 : memref<632x128xf32, #tpu.memory_space<vmem_shared>>) target_semaphore(%run_scoped3A : memref<!tpu.dma_semaphore, #tpu.memory_space<semaphore_mem>>)
      %dma_wait3A = arith.constant 0 : i32
      %dma_wait3A_112 = tpu.memref_slice %arg6[%min3A_3, %dma_wait3A] : memref<10000x128xf32, #tpu.memory_space<vmem_shared>> -> memref<632x128xf32, #tpu.memory_space<vmem_shared>>
      tpu.wait_dma2 semaphore(%run_scoped3A : memref<!tpu.dma_semaphore, #tpu.memory_space<semaphore_mem>>) src(%arg4 : memref<632x128xf32, #tpu.memory_space<hbm>>) dst(%dma_wait3A_112 : memref<632x128xf32, #tpu.memory_space<vmem_shared>>)
      tpu.yield
    }) : () -> ()
    %barrier3A = arith.constant 0 : index
    tpu.barrier barrier_id(%barrier3A)
    %add3A_10 = arith.constant 0 : i32
    %add3A_11 = arith.addi %add3A_9, %add3A_10 : i32
    %dma_start3A = arith.constant 0 : i32
    %dma_start3A_12 = tpu.memref_slice %arg2[%add3A_11, %dma_start3A] : memref<640000x128xf32, #tpu.memory_space<hbm>> -> memref<80x128xf32, #tpu.memory_space<hbm>>
    %dma_start3A_13 = arith.constant 0 : i32
    %dma_start3A_14 = tpu.memref_slice %arg2[%add3A_11, %dma_start3A_13] : memref<640000x128xf32, #tpu.memory_space<hbm>> -> memref<80x128xf32, #tpu.memory_space<hbm>>
    tpu.enqueue_dma source(%dma_start3A_14 : memref<80x128xf32, #tpu.memory_space<hbm>>) target(%arg7 : memref<80x128xf32, #tpu.memory_space<vmem>>) target_semaphore(%arg15 : memref<!tpu.dma_semaphore, #tpu.memory_space<semaphore_mem>>)
    %add3A_15 = arith.constant 0 : i32
    %add3A_16 = arith.addi %mul3A_0, %add3A_15 : i32
    %dma_start3A_17 = tpu.memref_slice %arg3[%add3A_16] : memref<160000xi32, #tpu.memory_space<hbm>> -> memref<80xi32, #tpu.memory_space<hbm>>
    %dma_start3A_18 = tpu.memref_slice %arg3[%add3A_16] : memref<160000xi32, #tpu.memory_space<hbm>> -> memref<80xi32, #tpu.memory_space<hbm>>
    tpu.enqueue_dma source(%dma_start3A_18 : memref<80xi32, #tpu.memory_space<hbm>>) target(%arg11 : memref<80xi32, #tpu.memory_space<vmem>>) target_semaphore(%arg15 : memref<!tpu.dma_semaphore, #tpu.memory_space<semaphore_mem>>)
    %add3A_19 = arith.constant 80 : i32
    %add3A_20 = arith.addi %add3A_9, %add3A_19 : i32
    %dma_start3A_21 = arith.constant 0 : i32
    %dma_start3A_22 = tpu.memref_slice %arg2[%add3A_20, %dma_start3A_21] : memref<640000x128xf32, #tpu.memory_space<hbm>> -> memref<80x128xf32, #tpu.memory_space<hbm>>
    %dma_start3A_23 = arith.constant 0 : i32
    %dma_start3A_24 = tpu.memref_slice %arg2[%add3A_20, %dma_start3A_23] : memref<640000x128xf32, #tpu.memory_space<hbm>> -> memref<80x128xf32, #tpu.memory_space<hbm>>
    tpu.enqueue_dma source(%dma_start3A_24 : memref<80x128xf32, #tpu.memory_space<hbm>>) target(%arg8 : memref<80x128xf32, #tpu.memory_space<vmem>>) target_semaphore(%arg16 : memref<!tpu.dma_semaphore, #tpu.memory_space<semaphore_mem>>)
    %add3A_25 = arith.constant 80 : i32
    %add3A_26 = arith.addi %mul3A_0, %add3A_25 : i32
    %dma_start3A_27 = tpu.memref_slice %arg3[%add3A_26] : memref<160000xi32, #tpu.memory_space<hbm>> -> memref<80xi32, #tpu.memory_space<hbm>>
    %dma_start3A_28 = tpu.memref_slice %arg3[%add3A_26] : memref<160000xi32, #tpu.memory_space<hbm>> -> memref<80xi32, #tpu.memory_space<hbm>>
    tpu.enqueue_dma source(%dma_start3A_28 : memref<80xi32, #tpu.memory_space<hbm>>) target(%arg12 : memref<80xi32, #tpu.memory_space<vmem>>) target_semaphore(%arg16 : memref<!tpu.dma_semaphore, #tpu.memory_space<semaphore_mem>>)
    %add3A_29 = arith.constant 160 : i32
    %add3A_30 = arith.addi %add3A_9, %add3A_29 : i32
    %dma_start3A_31 = arith.constant 0 : i32
    %dma_start3A_32 = tpu.memref_slice %arg2[%add3A_30, %dma_start3A_31] : memref<640000x128xf32, #tpu.memory_space<hbm>> -> memref<80x128xf32, #tpu.memory_space<hbm>>
    %dma_start3A_33 = arith.constant 0 : i32
    %dma_start3A_34 = tpu.memref_slice %arg2[%add3A_30, %dma_start3A_33] : memref<640000x128xf32, #tpu.memory_space<hbm>> -> memref<80x128xf32, #tpu.memory_space<hbm>>
    tpu.enqueue_dma source(%dma_start3A_34 : memref<80x128xf32, #tpu.memory_space<hbm>>) target(%arg9 : memref<80x128xf32, #tpu.memory_space<vmem>>) target_semaphore(%arg17 : memref<!tpu.dma_semaphore, #tpu.memory_space<semaphore_mem>>)
    %add3A_35 = arith.constant 160 : i32
    %add3A_36 = arith.addi %mul3A_0, %add3A_35 : i32
    %dma_start3A_37 = tpu.memref_slice %arg3[%add3A_36] : memref<160000xi32, #tpu.memory_space<hbm>> -> memref<80xi32, #tpu.memory_space<hbm>>
    %dma_start3A_38 = tpu.memref_slice %arg3[%add3A_36] : memref<160000xi32, #tpu.memory_space<hbm>> -> memref<80xi32, #tpu.memory_space<hbm>>
    tpu.enqueue_dma source(%dma_start3A_38 : memref<80xi32, #tpu.memory_space<hbm>>) target(%arg13 : memref<80xi32, #tpu.memory_space<vmem>>) target_semaphore(%arg17 : memref<!tpu.dma_semaphore, #tpu.memory_space<semaphore_mem>>)
    %add3A_39 = arith.constant 240 : i32
    %add3A_40 = arith.addi %add3A_9, %add3A_39 : i32
    %dma_start3A_41 = arith.constant 0 : i32
    %dma_start3A_42 = tpu.memref_slice %arg2[%add3A_40, %dma_start3A_41] : memref<640000x128xf32, #tpu.memory_space<hbm>> -> memref<80x128xf32, #tpu.memory_space<hbm>>
    %dma_start3A_43 = arith.constant 0 : i32
    %dma_start3A_44 = tpu.memref_slice %arg2[%add3A_40, %dma_start3A_43] : memref<640000x128xf32, #tpu.memory_space<hbm>> -> memref<80x128xf32, #tpu.memory_space<hbm>>
    tpu.enqueue_dma source(%dma_start3A_44 : memref<80x128xf32, #tpu.memory_space<hbm>>) target(%arg10 : memref<80x128xf32, #tpu.memory_space<vmem>>) target_semaphore(%arg18 : memref<!tpu.dma_semaphore, #tpu.memory_space<semaphore_mem>>)
    %add3A_45 = arith.constant 240 : i32
    %add3A_46 = arith.addi %mul3A_0, %add3A_45 : i32
    %dma_start3A_47 = tpu.memref_slice %arg3[%add3A_46] : memref<160000xi32, #tpu.memory_space<hbm>> -> memref<80xi32, #tpu.memory_space<hbm>>
    %dma_start3A_48 = tpu.memref_slice %arg3[%add3A_46] : memref<160000xi32, #tpu.memory_space<hbm>> -> memref<80xi32, #tpu.memory_space<hbm>>
    tpu.enqueue_dma source(%dma_start3A_48 : memref<80xi32, #tpu.memory_space<hbm>>) target(%arg14 : memref<80xi32, #tpu.memory_space<vmem>>) target_semaphore(%arg18 : memref<!tpu.dma_semaphore, #tpu.memory_space<semaphore_mem>>)
    %scan3A = arith.constant 0 : i32
    %scan3A_49 = arith.constant 0 : i32
    %scan3A_50 = arith.constant 32 : i32
    %scan3A_51 = arith.addi %scan3A_49, %scan3A_50 : i32
    %scan3A_52 = arith.constant 1 : i32
    scf.for %scan3A_110 = %scan3A_49 to %scan3A_51 step %scan3A_52  : i32 {
      %mul3A_111 = arith.constant 4 : i32
      %mul3A_112 = arith.muli %mul3A_111, %scan3A_110 : i32
      %add3A_113 = arith.constant 0 : i32
      %add3A_114 = arith.addi %mul3A_112, %add3A_113 : i32
      %lt3A = arith.constant 125 : i32
      %lt3A_115 = arith.cmpi slt, %add3A_114, %lt3A : i32
      %convert_element_type3A = arith.extui %lt3A_115 : i1 to i32
      %cond3A = arith.constant 0 : i32
      %cond3A_116 = arith.cmpi ne, %convert_element_type3A, %cond3A : i32
      scf.if %cond3A_116 {
        %dma_wait3A = arith.constant 0 : i32
        %dma_wait3A_166 = tpu.memref_slice %arg2[%add3A_9, %dma_wait3A] : memref<640000x128xf32, #tpu.memory_space<hbm>> -> memref<80x128xf32, #tpu.memory_space<hbm>>
        %dma_wait3A_167 = arith.constant 0 : i32
        %dma_wait3A_168 = tpu.memref_slice %arg2[%add3A_9, %dma_wait3A_167] : memref<640000x128xf32, #tpu.memory_space<hbm>> -> memref<80x128xf32, #tpu.memory_space<hbm>>
        tpu.wait_dma2 semaphore(%arg15 : memref<!tpu.dma_semaphore, #tpu.memory_space<semaphore_mem>>) src(%dma_wait3A_168 : memref<80x128xf32, #tpu.memory_space<hbm>>) dst(%arg7 : memref<80x128xf32, #tpu.memory_space<vmem>>)
        %dma_wait3A_169 = tpu.memref_slice %arg3[%mul3A_0] : memref<160000xi32, #tpu.memory_space<hbm>> -> memref<80xi32, #tpu.memory_space<hbm>>
        %dma_wait3A_170 = tpu.memref_slice %arg3[%mul3A_0] : memref<160000xi32, #tpu.memory_space<hbm>> -> memref<80xi32, #tpu.memory_space<hbm>>
        tpu.wait_dma2 semaphore(%arg15 : memref<!tpu.dma_semaphore, #tpu.memory_space<semaphore_mem>>) src(%dma_wait3A_170 : memref<80xi32, #tpu.memory_space<hbm>>) dst(%arg11 : memref<80xi32, #tpu.memory_space<vmem>>)
        %dma_start3A_171 = arith.constant 0 : i32
        %dma_start3A_172 = arith.constant 0 : i32
        %dma_start3A_173 = tpu.memref_slice %arg6[%dma_start3A_171, %dma_start3A_172] : memref<10000x128xf32, #tpu.memory_space<vmem_shared>> -> memref<10000x128xf32, #tpu.memory_space<vmem_shared>>
        tpu.enqueue_indirect_dma source(%arg7 : memref<80x128xf32, #tpu.memory_space<vmem>>) target(%dma_start3A_173 : memref<10000x128xf32, #tpu.memory_space<vmem_shared>>) offsets(%arg11 : memref<80xi32, #tpu.memory_space<vmem>>) semaphore(%arg19 : memref<!tpu.dma_semaphore, #tpu.memory_space<semaphore_mem>>) {add = true}
      } else {
      }
      %add3A_117 = arith.constant 1 : i32
      %add3A_118 = arith.addi %mul3A_112, %add3A_117 : i32
      %lt3A_119 = arith.constant 125 : i32
      %lt3A_120 = arith.cmpi slt, %add3A_118, %lt3A_119 : i32
      %convert_element_type3A_121 = arith.extui %lt3A_120 : i1 to i32
      %cond3A_122 = arith.constant 0 : i32
      %cond3A_123 = arith.cmpi ne, %convert_element_type3A_121, %cond3A_122 : i32
      scf.if %cond3A_123 {
        %dma_wait3A = arith.constant 0 : i32
        %dma_wait3A_166 = tpu.memref_slice %arg2[%add3A_9, %dma_wait3A] : memref<640000x128xf32, #tpu.memory_space<hbm>> -> memref<80x128xf32, #tpu.memory_space<hbm>>
        %dma_wait3A_167 = arith.constant 0 : i32
        %dma_wait3A_168 = tpu.memref_slice %arg2[%add3A_9, %dma_wait3A_167] : memref<640000x128xf32, #tpu.memory_space<hbm>> -> memref<80x128xf32, #tpu.memory_space<hbm>>
        tpu.wait_dma2 semaphore(%arg16 : memref<!tpu.dma_semaphore, #tpu.memory_space<semaphore_mem>>) src(%dma_wait3A_168 : memref<80x128xf32, #tpu.memory_space<hbm>>) dst(%arg8 : memref<80x128xf32, #tpu.memory_space<vmem>>)
        %dma_wait3A_169 = tpu.memref_slice %arg3[%mul3A_0] : memref<160000xi32, #tpu.memory_space<hbm>> -> memref<80xi32, #tpu.memory_space<hbm>>
        %dma_wait3A_170 = tpu.memref_slice %arg3[%mul3A_0] : memref<160000xi32, #tpu.memory_space<hbm>> -> memref<80xi32, #tpu.memory_space<hbm>>
        tpu.wait_dma2 semaphore(%arg16 : memref<!tpu.dma_semaphore, #tpu.memory_space<semaphore_mem>>) src(%dma_wait3A_170 : memref<80xi32, #tpu.memory_space<hbm>>) dst(%arg12 : memref<80xi32, #tpu.memory_space<vmem>>)
        %dma_start3A_171 = arith.constant 0 : i32
        %dma_start3A_172 = arith.constant 0 : i32
        %dma_start3A_173 = tpu.memref_slice %arg6[%dma_start3A_171, %dma_start3A_172] : memref<10000x128xf32, #tpu.memory_space<vmem_shared>> -> memref<10000x128xf32, #tpu.memory_space<vmem_shared>>
        tpu.enqueue_indirect_dma source(%arg8 : memref<80x128xf32, #tpu.memory_space<vmem>>) target(%dma_start3A_173 : memref<10000x128xf32, #tpu.memory_space<vmem_shared>>) offsets(%arg12 : memref<80xi32, #tpu.memory_space<vmem>>) semaphore(%arg20 : memref<!tpu.dma_semaphore, #tpu.memory_space<semaphore_mem>>) {add = true}
      } else {
      }
      %add3A_124 = arith.constant 2 : i32
      %add3A_125 = arith.addi %mul3A_112, %add3A_124 : i32
      %lt3A_126 = arith.constant 125 : i32
      %lt3A_127 = arith.cmpi slt, %add3A_125, %lt3A_126 : i32
      %convert_element_type3A_128 = arith.extui %lt3A_127 : i1 to i32
      %cond3A_129 = arith.constant 0 : i32
      %cond3A_130 = arith.cmpi ne, %convert_element_type3A_128, %cond3A_129 : i32
      scf.if %cond3A_130 {
        %dma_wait3A = arith.constant 0 : i32
        %dma_wait3A_166 = tpu.memref_slice %arg2[%add3A_9, %dma_wait3A] : memref<640000x128xf32, #tpu.memory_space<hbm>> -> memref<80x128xf32, #tpu.memory_space<hbm>>
        %dma_wait3A_167 = arith.constant 0 : i32
        %dma_wait3A_168 = tpu.memref_slice %arg2[%add3A_9, %dma_wait3A_167] : memref<640000x128xf32, #tpu.memory_space<hbm>> -> memref<80x128xf32, #tpu.memory_space<hbm>>
        tpu.wait_dma2 semaphore(%arg17 : memref<!tpu.dma_semaphore, #tpu.memory_space<semaphore_mem>>) src(%dma_wait3A_168 : memref<80x128xf32, #tpu.memory_space<hbm>>) dst(%arg9 : memref<80x128xf32, #tpu.memory_space<vmem>>)
        %dma_wait3A_169 = tpu.memref_slice %arg3[%mul3A_0] : memref<160000xi32, #tpu.memory_space<hbm>> -> memref<80xi32, #tpu.memory_space<hbm>>
        %dma_wait3A_170 = tpu.memref_slice %arg3[%mul3A_0] : memref<160000xi32, #tpu.memory_space<hbm>> -> memref<80xi32, #tpu.memory_space<hbm>>
        tpu.wait_dma2 semaphore(%arg17 : memref<!tpu.dma_semaphore, #tpu.memory_space<semaphore_mem>>) src(%dma_wait3A_170 : memref<80xi32, #tpu.memory_space<hbm>>) dst(%arg13 : memref<80xi32, #tpu.memory_space<vmem>>)
        %dma_start3A_171 = arith.constant 0 : i32
        %dma_start3A_172 = arith.constant 0 : i32
        %dma_start3A_173 = tpu.memref_slice %arg6[%dma_start3A_171, %dma_start3A_172] : memref<10000x128xf32, #tpu.memory_space<vmem_shared>> -> memref<10000x128xf32, #tpu.memory_space<vmem_shared>>
        tpu.enqueue_indirect_dma source(%arg9 : memref<80x128xf32, #tpu.memory_space<vmem>>) target(%dma_start3A_173 : memref<10000x128xf32, #tpu.memory_space<vmem_shared>>) offsets(%arg13 : memref<80xi32, #tpu.memory_space<vmem>>) semaphore(%arg21 : memref<!tpu.dma_semaphore, #tpu.memory_space<semaphore_mem>>) {add = true}
      } else {
      }
      %add3A_131 = arith.constant 3 : i32
      %add3A_132 = arith.addi %mul3A_112, %add3A_131 : i32
      %lt3A_133 = arith.constant 125 : i32
      %lt3A_134 = arith.cmpi slt, %add3A_132, %lt3A_133 : i32
      %convert_element_type3A_135 = arith.extui %lt3A_134 : i1 to i32
      %cond3A_136 = arith.constant 0 : i32
      %cond3A_137 = arith.cmpi ne, %convert_element_type3A_135, %cond3A_136 : i32
      scf.if %cond3A_137 {
        %dma_wait3A = arith.constant 0 : i32
        %dma_wait3A_166 = tpu.memref_slice %arg2[%add3A_9, %dma_wait3A] : memref<640000x128xf32, #tpu.memory_space<hbm>> -> memref<80x128xf32, #tpu.memory_space<hbm>>
        %dma_wait3A_167 = arith.constant 0 : i32
        %dma_wait3A_168 = tpu.memref_slice %arg2[%add3A_9, %dma_wait3A_167] : memref<640000x128xf32, #tpu.memory_space<hbm>> -> memref<80x128xf32, #tpu.memory_space<hbm>>
        tpu.wait_dma2 semaphore(%arg18 : memref<!tpu.dma_semaphore, #tpu.memory_space<semaphore_mem>>) src(%dma_wait3A_168 : memref<80x128xf32, #tpu.memory_space<hbm>>) dst(%arg10 : memref<80x128xf32, #tpu.memory_space<vmem>>)
        %dma_wait3A_169 = tpu.memref_slice %arg3[%mul3A_0] : memref<160000xi32, #tpu.memory_space<hbm>> -> memref<80xi32, #tpu.memory_space<hbm>>
        %dma_wait3A_170 = tpu.memref_slice %arg3[%mul3A_0] : memref<160000xi32, #tpu.memory_space<hbm>> -> memref<80xi32, #tpu.memory_space<hbm>>
        tpu.wait_dma2 semaphore(%arg18 : memref<!tpu.dma_semaphore, #tpu.memory_space<semaphore_mem>>) src(%dma_wait3A_170 : memref<80xi32, #tpu.memory_space<hbm>>) dst(%arg14 : memref<80xi32, #tpu.memory_space<vmem>>)
        %dma_start3A_171 = arith.constant 0 : i32
        %dma_start3A_172 = arith.constant 0 : i32
        %dma_start3A_173 = tpu.memref_slice %arg6[%dma_start3A_171, %dma_start3A_172] : memref<10000x128xf32, #tpu.memory_space<vmem_shared>> -> memref<10000x128xf32, #tpu.memory_space<vmem_shared>>
        tpu.enqueue_indirect_dma source(%arg10 : memref<80x128xf32, #tpu.memory_space<vmem>>) target(%dma_start3A_173 : memref<10000x128xf32, #tpu.memory_space<vmem_shared>>) offsets(%arg14 : memref<80xi32, #tpu.memory_space<vmem>>) semaphore(%arg22 : memref<!tpu.dma_semaphore, #tpu.memory_space<semaphore_mem>>) {add = true}
      } else {
      }
      %add3A_138 = arith.constant 0 : i32
      %add3A_139 = arith.addi %mul3A_112, %add3A_138 : i32
      %lt3A_140 = arith.constant 125 : i32
      %lt3A_141 = arith.cmpi slt, %add3A_139, %lt3A_140 : i32
      %convert_element_type3A_142 = arith.extui %lt3A_141 : i1 to i32
      %cond3A_143 = arith.constant 0 : i32
      %cond3A_144 = arith.cmpi ne, %convert_element_type3A_142, %cond3A_143 : i32
      scf.if %cond3A_144 {
        %dma_wait3A = arith.constant 0 : i32
        %dma_wait3A_166 = arith.constant 0 : i32
        %dma_wait3A_167 = tpu.memref_slice %arg6[%dma_wait3A, %dma_wait3A_166] : memref<10000x128xf32, #tpu.memory_space<vmem_shared>> -> memref<10000x128xf32, #tpu.memory_space<vmem_shared>>
        tpu.wait_indirect_dma semaphore(%arg19 : memref<!tpu.dma_semaphore, #tpu.memory_space<semaphore_mem>>) src(%arg7 : memref<80x128xf32, #tpu.memory_space<vmem>>) dst(%dma_wait3A_167 : memref<10000x128xf32, #tpu.memory_space<vmem_shared>>)
        %add3A_168 = arith.constant 0 : i32
        %add3A_169 = arith.addi %mul3A_112, %add3A_168 : i32
        %add3A_170 = arith.constant 4 : i32
        %add3A_171 = arith.addi %add3A_169, %add3A_170 : i32
        %lt3A_172 = arith.constant 125 : i32
        %lt3A_173 = arith.cmpi slt, %add3A_171, %lt3A_172 : i32
        %convert_element_type3A_174 = arith.extui %lt3A_173 : i1 to i32
        %cond3A_175 = arith.constant 0 : i32
        %cond3A_176 = arith.cmpi ne, %convert_element_type3A_174, %cond3A_175 : i32
        scf.if %cond3A_176 {
          %add3A_177 = arith.constant 4 : i32
          %add3A_178 = arith.addi %mul3A_112, %add3A_177 : i32
          %add3A_179 = arith.constant 0 : i32
          %add3A_180 = arith.addi %add3A_178, %add3A_179 : i32
          %mul3A_181 = arith.constant 80 : i32
          %mul3A_182 = arith.muli %add3A_180, %mul3A_181 : i32
          %add3A_183 = arith.addi %add3A_9, %mul3A_182 : i32
          %dma_start3A_184 = arith.constant 0 : i32
          %dma_start3A_185 = tpu.memref_slice %arg2[%add3A_183, %dma_start3A_184] : memref<640000x128xf32, #tpu.memory_space<hbm>> -> memref<80x128xf32, #tpu.memory_space<hbm>>
          %dma_start3A_186 = arith.constant 0 : i32
          %dma_start3A_187 = tpu.memref_slice %arg2[%add3A_183, %dma_start3A_186] : memref<640000x128xf32, #tpu.memory_space<hbm>> -> memref<80x128xf32, #tpu.memory_space<hbm>>
          tpu.enqueue_dma source(%dma_start3A_187 : memref<80x128xf32, #tpu.memory_space<hbm>>) target(%arg7 : memref<80x128xf32, #tpu.memory_space<vmem>>) target_semaphore(%arg15 : memref<!tpu.dma_semaphore, #tpu.memory_space<semaphore_mem>>)
          %mul3A_188 = arith.constant 80 : i32
          %mul3A_189 = arith.muli %add3A_180, %mul3A_188 : i32
          %add3A_190 = arith.addi %mul3A_0, %mul3A_189 : i32
          %dma_start3A_191 = tpu.memref_slice %arg3[%add3A_190] : memref<160000xi32, #tpu.memory_space<hbm>> -> memref<80xi32, #tpu.memory_space<hbm>>
          %dma_start3A_192 = tpu.memref_slice %arg3[%add3A_190] : memref<160000xi32, #tpu.memory_space<hbm>> -> memref<80xi32, #tpu.memory_space<hbm>>
          tpu.enqueue_dma source(%dma_start3A_192 : memref<80xi32, #tpu.memory_space<hbm>>) target(%arg11 : memref<80xi32, #tpu.memory_space<vmem>>) target_semaphore(%arg15 : memref<!tpu.dma_semaphore, #tpu.memory_space<semaphore_mem>>)
        } else {
        }
      } else {
      }
      %add3A_145 = arith.constant 1 : i32
      %add3A_146 = arith.addi %mul3A_112, %add3A_145 : i32
      %lt3A_147 = arith.constant 125 : i32
      %lt3A_148 = arith.cmpi slt, %add3A_146, %lt3A_147 : i32
      %convert_element_type3A_149 = arith.extui %lt3A_148 : i1 to i32
      %cond3A_150 = arith.constant 0 : i32
      %cond3A_151 = arith.cmpi ne, %convert_element_type3A_149, %cond3A_150 : i32
      scf.if %cond3A_151 {
        %dma_wait3A = arith.constant 0 : i32
        %dma_wait3A_166 = arith.constant 0 : i32
        %dma_wait3A_167 = tpu.memref_slice %arg6[%dma_wait3A, %dma_wait3A_166] : memref<10000x128xf32, #tpu.memory_space<vmem_shared>> -> memref<10000x128xf32, #tpu.memory_space<vmem_shared>>
        tpu.wait_indirect_dma semaphore(%arg20 : memref<!tpu.dma_semaphore, #tpu.memory_space<semaphore_mem>>) src(%arg8 : memref<80x128xf32, #tpu.memory_space<vmem>>) dst(%dma_wait3A_167 : memref<10000x128xf32, #tpu.memory_space<vmem_shared>>)
        %add3A_168 = arith.constant 1 : i32
        %add3A_169 = arith.addi %mul3A_112, %add3A_168 : i32
        %add3A_170 = arith.constant 4 : i32
        %add3A_171 = arith.addi %add3A_169, %add3A_170 : i32
        %lt3A_172 = arith.constant 125 : i32
        %lt3A_173 = arith.cmpi slt, %add3A_171, %lt3A_172 : i32
        %convert_element_type3A_174 = arith.extui %lt3A_173 : i1 to i32
        %cond3A_175 = arith.constant 0 : i32
        %cond3A_176 = arith.cmpi ne, %convert_element_type3A_174, %cond3A_175 : i32
        scf.if %cond3A_176 {
          %add3A_177 = arith.constant 4 : i32
          %add3A_178 = arith.addi %mul3A_112, %add3A_177 : i32
          %add3A_179 = arith.constant 1 : i32
          %add3A_180 = arith.addi %add3A_178, %add3A_179 : i32
          %mul3A_181 = arith.constant 80 : i32
          %mul3A_182 = arith.muli %add3A_180, %mul3A_181 : i32
          %add3A_183 = arith.addi %add3A_9, %mul3A_182 : i32
          %dma_start3A_184 = arith.constant 0 : i32
          %dma_start3A_185 = tpu.memref_slice %arg2[%add3A_183, %dma_start3A_184] : memref<640000x128xf32, #tpu.memory_space<hbm>> -> memref<80x128xf32, #tpu.memory_space<hbm>>
          %dma_start3A_186 = arith.constant 0 : i32
          %dma_start3A_187 = tpu.memref_slice %arg2[%add3A_183, %dma_start3A_186] : memref<640000x128xf32, #tpu.memory_space<hbm>> -> memref<80x128xf32, #tpu.memory_space<hbm>>
          tpu.enqueue_dma source(%dma_start3A_187 : memref<80x128xf32, #tpu.memory_space<hbm>>) target(%arg8 : memref<80x128xf32, #tpu.memory_space<vmem>>) target_semaphore(%arg16 : memref<!tpu.dma_semaphore, #tpu.memory_space<semaphore_mem>>)
          %mul3A_188 = arith.constant 80 : i32
          %mul3A_189 = arith.muli %add3A_180, %mul3A_188 : i32
          %add3A_190 = arith.addi %mul3A_0, %mul3A_189 : i32
          %dma_start3A_191 = tpu.memref_slice %arg3[%add3A_190] : memref<160000xi32, #tpu.memory_space<hbm>> -> memref<80xi32, #tpu.memory_space<hbm>>
          %dma_start3A_192 = tpu.memref_slice %arg3[%add3A_190] : memref<160000xi32, #tpu.memory_space<hbm>> -> memref<80xi32, #tpu.memory_space<hbm>>
          tpu.enqueue_dma source(%dma_start3A_192 : memref<80xi32, #tpu.memory_space<hbm>>) target(%arg12 : memref<80xi32, #tpu.memory_space<vmem>>) target_semaphore(%arg16 : memref<!tpu.dma_semaphore, #tpu.memory_space<semaphore_mem>>)
        } else {
        }
      } else {
      }
      %add3A_152 = arith.constant 2 : i32
      %add3A_153 = arith.addi %mul3A_112, %add3A_152 : i32
      %lt3A_154 = arith.constant 125 : i32
      %lt3A_155 = arith.cmpi slt, %add3A_153, %lt3A_154 : i32
      %convert_element_type3A_156 = arith.extui %lt3A_155 : i1 to i32
      %cond3A_157 = arith.constant 0 : i32
      %cond3A_158 = arith.cmpi ne, %convert_element_type3A_156, %cond3A_157 : i32
      scf.if %cond3A_158 {
        %dma_wait3A = arith.constant 0 : i32
        %dma_wait3A_166 = arith.constant 0 : i32
        %dma_wait3A_167 = tpu.memref_slice %arg6[%dma_wait3A, %dma_wait3A_166] : memref<10000x128xf32, #tpu.memory_space<vmem_shared>> -> memref<10000x128xf32, #tpu.memory_space<vmem_shared>>
        tpu.wait_indirect_dma semaphore(%arg21 : memref<!tpu.dma_semaphore, #tpu.memory_space<semaphore_mem>>) src(%arg9 : memref<80x128xf32, #tpu.memory_space<vmem>>) dst(%dma_wait3A_167 : memref<10000x128xf32, #tpu.memory_space<vmem_shared>>)
        %add3A_168 = arith.constant 2 : i32
        %add3A_169 = arith.addi %mul3A_112, %add3A_168 : i32
        %add3A_170 = arith.constant 4 : i32
        %add3A_171 = arith.addi %add3A_169, %add3A_170 : i32
        %lt3A_172 = arith.constant 125 : i32
        %lt3A_173 = arith.cmpi slt, %add3A_171, %lt3A_172 : i32
        %convert_element_type3A_174 = arith.extui %lt3A_173 : i1 to i32
        %cond3A_175 = arith.constant 0 : i32
        %cond3A_176 = arith.cmpi ne, %convert_element_type3A_174, %cond3A_175 : i32
        scf.if %cond3A_176 {
          %add3A_177 = arith.constant 4 : i32
          %add3A_178 = arith.addi %mul3A_112, %add3A_177 : i32
          %add3A_179 = arith.constant 2 : i32
          %add3A_180 = arith.addi %add3A_178, %add3A_179 : i32
          %mul3A_181 = arith.constant 80 : i32
          %mul3A_182 = arith.muli %add3A_180, %mul3A_181 : i32
          %add3A_183 = arith.addi %add3A_9, %mul3A_182 : i32
          %dma_start3A_184 = arith.constant 0 : i32
          %dma_start3A_185 = tpu.memref_slice %arg2[%add3A_183, %dma_start3A_184] : memref<640000x128xf32, #tpu.memory_space<hbm>> -> memref<80x128xf32, #tpu.memory_space<hbm>>
          %dma_start3A_186 = arith.constant 0 : i32
          %dma_start3A_187 = tpu.memref_slice %arg2[%add3A_183, %dma_start3A_186] : memref<640000x128xf32, #tpu.memory_space<hbm>> -> memref<80x128xf32, #tpu.memory_space<hbm>>
          tpu.enqueue_dma source(%dma_start3A_187 : memref<80x128xf32, #tpu.memory_space<hbm>>) target(%arg9 : memref<80x128xf32, #tpu.memory_space<vmem>>) target_semaphore(%arg17 : memref<!tpu.dma_semaphore, #tpu.memory_space<semaphore_mem>>)
          %mul3A_188 = arith.constant 80 : i32
          %mul3A_189 = arith.muli %add3A_180, %mul3A_188 : i32
          %add3A_190 = arith.addi %mul3A_0, %mul3A_189 : i32
          %dma_start3A_191 = tpu.memref_slice %arg3[%add3A_190] : memref<160000xi32, #tpu.memory_space<hbm>> -> memref<80xi32, #tpu.memory_space<hbm>>
          %dma_start3A_192 = tpu.memref_slice %arg3[%add3A_190] : memref<160000xi32, #tpu.memory_space<hbm>> -> memref<80xi32, #tpu.memory_space<hbm>>
          tpu.enqueue_dma source(%dma_start3A_192 : memref<80xi32, #tpu.memory_space<hbm>>) target(%arg13 : memref<80xi32, #tpu.memory_space<vmem>>) target_semaphore(%arg17 : memref<!tpu.dma_semaphore, #tpu.memory_space<semaphore_mem>>)
        } else {
        }
      } else {
      }
      %add3A_159 = arith.constant 3 : i32
      %add3A_160 = arith.addi %mul3A_112, %add3A_159 : i32
      %lt3A_161 = arith.constant 125 : i32
      %lt3A_162 = arith.cmpi slt, %add3A_160, %lt3A_161 : i32
      %convert_element_type3A_163 = arith.extui %lt3A_162 : i1 to i32
      %cond3A_164 = arith.constant 0 : i32
      %cond3A_165 = arith.cmpi ne, %convert_element_type3A_163, %cond3A_164 : i32
      scf.if %cond3A_165 {
        %dma_wait3A = arith.constant 0 : i32
        %dma_wait3A_166 = arith.constant 0 : i32
        %dma_wait3A_167 = tpu.memref_slice %arg6[%dma_wait3A, %dma_wait3A_166] : memref<10000x128xf32, #tpu.memory_space<vmem_shared>> -> memref<10000x128xf32, #tpu.memory_space<vmem_shared>>
        tpu.wait_indirect_dma semaphore(%arg22 : memref<!tpu.dma_semaphore, #tpu.memory_space<semaphore_mem>>) src(%arg10 : memref<80x128xf32, #tpu.memory_space<vmem>>) dst(%dma_wait3A_167 : memref<10000x128xf32, #tpu.memory_space<vmem_shared>>)
        %add3A_168 = arith.constant 3 : i32
        %add3A_169 = arith.addi %mul3A_112, %add3A_168 : i32
        %add3A_170 = arith.constant 4 : i32
        %add3A_171 = arith.addi %add3A_169, %add3A_170 : i32
        %lt3A_172 = arith.constant 125 : i32
        %lt3A_173 = arith.cmpi slt, %add3A_171, %lt3A_172 : i32
        %convert_element_type3A_174 = arith.extui %lt3A_173 : i1 to i32
        %cond3A_175 = arith.constant 0 : i32
        %cond3A_176 = arith.cmpi ne, %convert_element_type3A_174, %cond3A_175 : i32
        scf.if %cond3A_176 {
          %add3A_177 = arith.constant 4 : i32
          %add3A_178 = arith.addi %mul3A_112, %add3A_177 : i32
          %add3A_179 = arith.constant 3 : i32
          %add3A_180 = arith.addi %add3A_178, %add3A_179 : i32
          %mul3A_181 = arith.constant 80 : i32
          %mul3A_182 = arith.muli %add3A_180, %mul3A_181 : i32
          %add3A_183 = arith.addi %add3A_9, %mul3A_182 : i32
          %dma_start3A_184 = arith.constant 0 : i32
          %dma_start3A_185 = tpu.memref_slice %arg2[%add3A_183, %dma_start3A_184] : memref<640000x128xf32, #tpu.memory_space<hbm>> -> memref<80x128xf32, #tpu.memory_space<hbm>>
          %dma_start3A_186 = arith.constant 0 : i32
          %dma_start3A_187 = tpu.memref_slice %arg2[%add3A_183, %dma_start3A_186] : memref<640000x128xf32, #tpu.memory_space<hbm>> -> memref<80x128xf32, #tpu.memory_space<hbm>>
          tpu.enqueue_dma source(%dma_start3A_187 : memref<80x128xf32, #tpu.memory_space<hbm>>) target(%arg10 : memref<80x128xf32, #tpu.memory_space<vmem>>) target_semaphore(%arg18 : memref<!tpu.dma_semaphore, #tpu.memory_space<semaphore_mem>>)
          %mul3A_188 = arith.constant 80 : i32
          %mul3A_189 = arith.muli %add3A_180, %mul3A_188 : i32
          %add3A_190 = arith.addi %mul3A_0, %mul3A_189 : i32
          %dma_start3A_191 = tpu.memref_slice %arg3[%add3A_190] : memref<160000xi32, #tpu.memory_space<hbm>> -> memref<80xi32, #tpu.memory_space<hbm>>
          %dma_start3A_192 = tpu.memref_slice %arg3[%add3A_190] : memref<160000xi32, #tpu.memory_space<hbm>> -> memref<80xi32, #tpu.memory_space<hbm>>
          tpu.enqueue_dma source(%dma_start3A_192 : memref<80xi32, #tpu.memory_space<hbm>>) target(%arg14 : memref<80xi32, #tpu.memory_space<vmem>>) target_semaphore(%arg18 : memref<!tpu.dma_semaphore, #tpu.memory_space<semaphore_mem>>)
        } else {
        }
      } else {
      }
    }
    %scan3A_53 = arith.constant 32 : i32
    %barrier3A_54 = arith.constant 0 : index
    tpu.barrier barrier_id(%barrier3A_54)
    "tpu.region"() ({
      %run_scoped3A = tpu.sem_alloc : memref<!tpu.dma_semaphore, #tpu.memory_space<semaphore_mem>>
      %dma_start3A_110 = arith.constant 0 : i32
      %dma_start3A_111 = tpu.memref_slice %arg5[%min3A_3, %add3A_6, %dma_start3A_110] : memref<10000x4x128xf32, #tpu.memory_space<hbm>> -> memref<632x1x128xf32, #tpu.memory_space<hbm>>
      %dma_start3A_112 = tpu.memref_squeeze %dma_start3A_111 : memref<632x1x128xf32, #tpu.memory_space<hbm>> -> memref<632x128xf32, #tpu.memory_space<hbm>>
      %dma_start3A_113 = arith.constant 0 : i32
      %dma_start3A_114 = tpu.memref_slice %arg6[%min3A_3, %dma_start3A_113] : memref<10000x128xf32, #tpu.memory_space<vmem_shared>> -> memref<632x128xf32, #tpu.memory_space<vmem_shared>>
      tpu.enqueue_dma source(%dma_start3A_114 : memref<632x128xf32, #tpu.memory_space<vmem_shared>>) target(%dma_start3A_112 : memref<632x128xf32, #tpu.memory_space<hbm>>) target_semaphore(%run_scoped3A : memref<!tpu.dma_semaphore, #tpu.memory_space<semaphore_mem>>)
      %dma_wait3A = arith.constant 0 : i32
      %dma_wait3A_115 = tpu.memref_slice %arg5[%min3A_3, %add3A_6, %dma_wait3A] : memref<10000x4x128xf32, #tpu.memory_space<hbm>> -> memref<632x1x128xf32, #tpu.memory_space<hbm>>
      %dma_wait3A_116 = tpu.memref_squeeze %dma_wait3A_115 : memref<632x1x128xf32, #tpu.memory_space<hbm>> -> memref<632x128xf32, #tpu.memory_space<hbm>>
      %dma_wait3A_117 = arith.constant 0 : i32
      %dma_wait3A_118 = tpu.memref_slice %arg6[%min3A_3, %dma_wait3A_117] : memref<10000x128xf32, #tpu.memory_space<vmem_shared>> -> memref<632x128xf32, #tpu.memory_space<vmem_shared>>
      tpu.wait_dma2 semaphore(%run_scoped3A : memref<!tpu.dma_semaphore, #tpu.memory_space<semaphore_mem>>) src(%dma_wait3A_118 : memref<632x128xf32, #tpu.memory_space<vmem_shared>>) dst(%dma_wait3A_116 : memref<632x128xf32, #tpu.memory_space<hbm>>)
      tpu.yield
    }) : () -> ()
    %mul3A_55 = arith.constant 2 : i32
    %mul3A_56 = arith.muli %mul3A_55, %arg0 : i32
    %add3A_57 = arith.constant 1 : i32
    %add3A_58 = arith.addi %mul3A_56, %add3A_57 : i32
    %mul3A_59 = arith.constant 160000 : i32
    %mul3A_60 = arith.muli %add3A_58, %mul3A_59 : i32
    %add3A_61 = arith.addi %mul3A_60, %mul3A_0 : i32
    "tpu.region"() ({
      %run_scoped3A = tpu.sem_alloc : memref<!tpu.dma_semaphore, #tpu.memory_space<semaphore_mem>>
      %dma_start3A_110 = arith.constant 0 : i32
      %dma_start3A_111 = tpu.memref_slice %arg6[%min3A_3, %dma_start3A_110] : memref<10000x128xf32, #tpu.memory_space<vmem_shared>> -> memref<632x128xf32, #tpu.memory_space<vmem_shared>>
      tpu.enqueue_dma source(%arg4 : memref<632x128xf32, #tpu.memory_space<hbm>>) target(%dma_start3A_111 : memref<632x128xf32, #tpu.memory_space<vmem_shared>>) target_semaphore(%run_scoped3A : memref<!tpu.dma_semaphore, #tpu.memory_space<semaphore_mem>>)
      %dma_wait3A = arith.constant 0 : i32
      %dma_wait3A_112 = tpu.memref_slice %arg6[%min3A_3, %dma_wait3A] : memref<10000x128xf32, #tpu.memory_space<vmem_shared>> -> memref<632x128xf32, #tpu.memory_space<vmem_shared>>
      tpu.wait_dma2 semaphore(%run_scoped3A : memref<!tpu.dma_semaphore, #tpu.memory_space<semaphore_mem>>) src(%arg4 : memref<632x128xf32, #tpu.memory_space<hbm>>) dst(%dma_wait3A_112 : memref<632x128xf32, #tpu.memory_space<vmem_shared>>)
      tpu.yield
    }) : () -> ()
    %barrier3A_62 = arith.constant 0 : index
    tpu.barrier barrier_id(%barrier3A_62)
    %add3A_63 = arith.constant 0 : i32
    %add3A_64 = arith.addi %add3A_61, %add3A_63 : i32
    %dma_start3A_65 = arith.constant 0 : i32
    %dma_start3A_66 = tpu.memref_slice %arg2[%add3A_64, %dma_start3A_65] : memref<640000x128xf32, #tpu.memory_space<hbm>> -> memref<80x128xf32, #tpu.memory_space<hbm>>
    %dma_start3A_67 = arith.constant 0 : i32
    %dma_start3A_68 = tpu.memref_slice %arg2[%add3A_64, %dma_start3A_67] : memref<640000x128xf32, #tpu.memory_space<hbm>> -> memref<80x128xf32, #tpu.memory_space<hbm>>
    tpu.enqueue_dma source(%dma_start3A_68 : memref<80x128xf32, #tpu.memory_space<hbm>>) target(%arg7 : memref<80x128xf32, #tpu.memory_space<vmem>>) target_semaphore(%arg15 : memref<!tpu.dma_semaphore, #tpu.memory_space<semaphore_mem>>)
    %add3A_69 = arith.constant 0 : i32
    %add3A_70 = arith.addi %mul3A_0, %add3A_69 : i32
    %dma_start3A_71 = tpu.memref_slice %arg3[%add3A_70] : memref<160000xi32, #tpu.memory_space<hbm>> -> memref<80xi32, #tpu.memory_space<hbm>>
    %dma_start3A_72 = tpu.memref_slice %arg3[%add3A_70] : memref<160000xi32, #tpu.memory_space<hbm>> -> memref<80xi32, #tpu.memory_space<hbm>>
    tpu.enqueue_dma source(%dma_start3A_72 : memref<80xi32, #tpu.memory_space<hbm>>) target(%arg11 : memref<80xi32, #tpu.memory_space<vmem>>) target_semaphore(%arg15 : memref<!tpu.dma_semaphore, #tpu.memory_space<semaphore_mem>>)
    %add3A_73 = arith.constant 80 : i32
    %add3A_74 = arith.addi %add3A_61, %add3A_73 : i32
    %dma_start3A_75 = arith.constant 0 : i32
    %dma_start3A_76 = tpu.memref_slice %arg2[%add3A_74, %dma_start3A_75] : memref<640000x128xf32, #tpu.memory_space<hbm>> -> memref<80x128xf32, #tpu.memory_space<hbm>>
    %dma_start3A_77 = arith.constant 0 : i32
    %dma_start3A_78 = tpu.memref_slice %arg2[%add3A_74, %dma_start3A_77] : memref<640000x128xf32, #tpu.memory_space<hbm>> -> memref<80x128xf32, #tpu.memory_space<hbm>>
    tpu.enqueue_dma source(%dma_start3A_78 : memref<80x128xf32, #tpu.memory_space<hbm>>) target(%arg8 : memref<80x128xf32, #tpu.memory_space<vmem>>) target_semaphore(%arg16 : memref<!tpu.dma_semaphore, #tpu.memory_space<semaphore_mem>>)
    %add3A_79 = arith.constant 80 : i32
    %add3A_80 = arith.addi %mul3A_0, %add3A_79 : i32
    %dma_start3A_81 = tpu.memref_slice %arg3[%add3A_80] : memref<160000xi32, #tpu.memory_space<hbm>> -> memref<80xi32, #tpu.memory_space<hbm>>
    %dma_start3A_82 = tpu.memref_slice %arg3[%add3A_80] : memref<160000xi32, #tpu.memory_space<hbm>> -> memref<80xi32, #tpu.memory_space<hbm>>
    tpu.enqueue_dma source(%dma_start3A_82 : memref<80xi32, #tpu.memory_space<hbm>>) target(%arg12 : memref<80xi32, #tpu.memory_space<vmem>>) target_semaphore(%arg16 : memref<!tpu.dma_semaphore, #tpu.memory_space<semaphore_mem>>)
    %add3A_83 = arith.constant 160 : i32
    %add3A_84 = arith.addi %add3A_61, %add3A_83 : i32
    %dma_start3A_85 = arith.constant 0 : i32
    %dma_start3A_86 = tpu.memref_slice %arg2[%add3A_84, %dma_start3A_85] : memref<640000x128xf32, #tpu.memory_space<hbm>> -> memref<80x128xf32, #tpu.memory_space<hbm>>
    %dma_start3A_87 = arith.constant 0 : i32
    %dma_start3A_88 = tpu.memref_slice %arg2[%add3A_84, %dma_start3A_87] : memref<640000x128xf32, #tpu.memory_space<hbm>> -> memref<80x128xf32, #tpu.memory_space<hbm>>
    tpu.enqueue_dma source(%dma_start3A_88 : memref<80x128xf32, #tpu.memory_space<hbm>>) target(%arg9 : memref<80x128xf32, #tpu.memory_space<vmem>>) target_semaphore(%arg17 : memref<!tpu.dma_semaphore, #tpu.memory_space<semaphore_mem>>)
    %add3A_89 = arith.constant 160 : i32
    %add3A_90 = arith.addi %mul3A_0, %add3A_89 : i32
    %dma_start3A_91 = tpu.memref_slice %arg3[%add3A_90] : memref<160000xi32, #tpu.memory_space<hbm>> -> memref<80xi32, #tpu.memory_space<hbm>>
    %dma_start3A_92 = tpu.memref_slice %arg3[%add3A_90] : memref<160000xi32, #tpu.memory_space<hbm>> -> memref<80xi32, #tpu.memory_space<hbm>>
    tpu.enqueue_dma source(%dma_start3A_92 : memref<80xi32, #tpu.memory_space<hbm>>) target(%arg13 : memref<80xi32, #tpu.memory_space<vmem>>) target_semaphore(%arg17 : memref<!tpu.dma_semaphore, #tpu.memory_space<semaphore_mem>>)
    %add3A_93 = arith.constant 240 : i32
    %add3A_94 = arith.addi %add3A_61, %add3A_93 : i32
    %dma_start3A_95 = arith.constant 0 : i32
    %dma_start3A_96 = tpu.memref_slice %arg2[%add3A_94, %dma_start3A_95] : memref<640000x128xf32, #tpu.memory_space<hbm>> -> memref<80x128xf32, #tpu.memory_space<hbm>>
    %dma_start3A_97 = arith.constant 0 : i32
    %dma_start3A_98 = tpu.memref_slice %arg2[%add3A_94, %dma_start3A_97] : memref<640000x128xf32, #tpu.memory_space<hbm>> -> memref<80x128xf32, #tpu.memory_space<hbm>>
    tpu.enqueue_dma source(%dma_start3A_98 : memref<80x128xf32, #tpu.memory_space<hbm>>) target(%arg10 : memref<80x128xf32, #tpu.memory_space<vmem>>) target_semaphore(%arg18 : memref<!tpu.dma_semaphore, #tpu.memory_space<semaphore_mem>>)
    %add3A_99 = arith.constant 240 : i32
    %add3A_100 = arith.addi %mul3A_0, %add3A_99 : i32
    %dma_start3A_101 = tpu.memref_slice %arg3[%add3A_100] : memref<160000xi32, #tpu.memory_space<hbm>> -> memref<80xi32, #tpu.memory_space<hbm>>
    %dma_start3A_102 = tpu.memref_slice %arg3[%add3A_100] : memref<160000xi32, #tpu.memory_space<hbm>> -> memref<80xi32, #tpu.memory_space<hbm>>
    tpu.enqueue_dma source(%dma_start3A_102 : memref<80xi32, #tpu.memory_space<hbm>>) target(%arg14 : memref<80xi32, #tpu.memory_space<vmem>>) target_semaphore(%arg18 : memref<!tpu.dma_semaphore, #tpu.memory_space<semaphore_mem>>)
    %scan3A_103 = arith.constant 0 : i32
    %scan3A_104 = arith.constant 0 : i32
    %scan3A_105 = arith.constant 32 : i32
    %scan3A_106 = arith.addi %scan3A_104, %scan3A_105 : i32
    %scan3A_107 = arith.constant 1 : i32
    scf.for %scan3A_110 = %scan3A_104 to %scan3A_106 step %scan3A_107  : i32 {
      %mul3A_111 = arith.constant 4 : i32
      %mul3A_112 = arith.muli %mul3A_111, %scan3A_110 : i32
      %add3A_113 = arith.constant 0 : i32
      %add3A_114 = arith.addi %mul3A_112, %add3A_113 : i32
      %lt3A = arith.constant 125 : i32
      %lt3A_115 = arith.cmpi slt, %add3A_114, %lt3A : i32
      %convert_element_type3A = arith.extui %lt3A_115 : i1 to i32
      %cond3A = arith.constant 0 : i32
      %cond3A_116 = arith.cmpi ne, %convert_element_type3A, %cond3A : i32
      scf.if %cond3A_116 {
        %dma_wait3A = arith.constant 0 : i32
        %dma_wait3A_166 = tpu.memref_slice %arg2[%add3A_61, %dma_wait3A] : memref<640000x128xf32, #tpu.memory_space<hbm>> -> memref<80x128xf32, #tpu.memory_space<hbm>>
        %dma_wait3A_167 = arith.constant 0 : i32
        %dma_wait3A_168 = tpu.memref_slice %arg2[%add3A_61, %dma_wait3A_167] : memref<640000x128xf32, #tpu.memory_space<hbm>> -> memref<80x128xf32, #tpu.memory_space<hbm>>
        tpu.wait_dma2 semaphore(%arg15 : memref<!tpu.dma_semaphore, #tpu.memory_space<semaphore_mem>>) src(%dma_wait3A_168 : memref<80x128xf32, #tpu.memory_space<hbm>>) dst(%arg7 : memref<80x128xf32, #tpu.memory_space<vmem>>)
        %dma_wait3A_169 = tpu.memref_slice %arg3[%mul3A_0] : memref<160000xi32, #tpu.memory_space<hbm>> -> memref<80xi32, #tpu.memory_space<hbm>>
        %dma_wait3A_170 = tpu.memref_slice %arg3[%mul3A_0] : memref<160000xi32, #tpu.memory_space<hbm>> -> memref<80xi32, #tpu.memory_space<hbm>>
        tpu.wait_dma2 semaphore(%arg15 : memref<!tpu.dma_semaphore, #tpu.memory_space<semaphore_mem>>) src(%dma_wait3A_170 : memref<80xi32, #tpu.memory_space<hbm>>) dst(%arg11 : memref<80xi32, #tpu.memory_space<vmem>>)
        %dma_start3A_171 = arith.constant 0 : i32
        %dma_start3A_172 = arith.constant 0 : i32
        %dma_start3A_173 = tpu.memref_slice %arg6[%dma_start3A_171, %dma_start3A_172] : memref<10000x128xf32, #tpu.memory_space<vmem_shared>> -> memref<10000x128xf32, #tpu.memory_space<vmem_shared>>
        tpu.enqueue_indirect_dma source(%arg7 : memref<80x128xf32, #tpu.memory_space<vmem>>) target(%dma_start3A_173 : memref<10000x128xf32, #tpu.memory_space<vmem_shared>>) offsets(%arg11 : memref<80xi32, #tpu.memory_space<vmem>>) semaphore(%arg19 : memref<!tpu.dma_semaphore, #tpu.memory_space<semaphore_mem>>) {add = true}
      } else {
      }
      %add3A_117 = arith.constant 1 : i32
      %add3A_118 = arith.addi %mul3A_112, %add3A_117 : i32
      %lt3A_119 = arith.constant 125 : i32
      %lt3A_120 = arith.cmpi slt, %add3A_118, %lt3A_119 : i32
      %convert_element_type3A_121 = arith.extui %lt3A_120 : i1 to i32
      %cond3A_122 = arith.constant 0 : i32
      %cond3A_123 = arith.cmpi ne, %convert_element_type3A_121, %cond3A_122 : i32
      scf.if %cond3A_123 {
        %dma_wait3A = arith.constant 0 : i32
        %dma_wait3A_166 = tpu.memref_slice %arg2[%add3A_61, %dma_wait3A] : memref<640000x128xf32, #tpu.memory_space<hbm>> -> memref<80x128xf32, #tpu.memory_space<hbm>>
        %dma_wait3A_167 = arith.constant 0 : i32
        %dma_wait3A_168 = tpu.memref_slice %arg2[%add3A_61, %dma_wait3A_167] : memref<640000x128xf32, #tpu.memory_space<hbm>> -> memref<80x128xf32, #tpu.memory_space<hbm>>
        tpu.wait_dma2 semaphore(%arg16 : memref<!tpu.dma_semaphore, #tpu.memory_space<semaphore_mem>>) src(%dma_wait3A_168 : memref<80x128xf32, #tpu.memory_space<hbm>>) dst(%arg8 : memref<80x128xf32, #tpu.memory_space<vmem>>)
        %dma_wait3A_169 = tpu.memref_slice %arg3[%mul3A_0] : memref<160000xi32, #tpu.memory_space<hbm>> -> memref<80xi32, #tpu.memory_space<hbm>>
        %dma_wait3A_170 = tpu.memref_slice %arg3[%mul3A_0] : memref<160000xi32, #tpu.memory_space<hbm>> -> memref<80xi32, #tpu.memory_space<hbm>>
        tpu.wait_dma2 semaphore(%arg16 : memref<!tpu.dma_semaphore, #tpu.memory_space<semaphore_mem>>) src(%dma_wait3A_170 : memref<80xi32, #tpu.memory_space<hbm>>) dst(%arg12 : memref<80xi32, #tpu.memory_space<vmem>>)
        %dma_start3A_171 = arith.constant 0 : i32
        %dma_start3A_172 = arith.constant 0 : i32
        %dma_start3A_173 = tpu.memref_slice %arg6[%dma_start3A_171, %dma_start3A_172] : memref<10000x128xf32, #tpu.memory_space<vmem_shared>> -> memref<10000x128xf32, #tpu.memory_space<vmem_shared>>
        tpu.enqueue_indirect_dma source(%arg8 : memref<80x128xf32, #tpu.memory_space<vmem>>) target(%dma_start3A_173 : memref<10000x128xf32, #tpu.memory_space<vmem_shared>>) offsets(%arg12 : memref<80xi32, #tpu.memory_space<vmem>>) semaphore(%arg20 : memref<!tpu.dma_semaphore, #tpu.memory_space<semaphore_mem>>) {add = true}
      } else {
      }
      %add3A_124 = arith.constant 2 : i32
      %add3A_125 = arith.addi %mul3A_112, %add3A_124 : i32
      %lt3A_126 = arith.constant 125 : i32
      %lt3A_127 = arith.cmpi slt, %add3A_125, %lt3A_126 : i32
      %convert_element_type3A_128 = arith.extui %lt3A_127 : i1 to i32
      %cond3A_129 = arith.constant 0 : i32
      %cond3A_130 = arith.cmpi ne, %convert_element_type3A_128, %cond3A_129 : i32
      scf.if %cond3A_130 {
        %dma_wait3A = arith.constant 0 : i32
        %dma_wait3A_166 = tpu.memref_slice %arg2[%add3A_61, %dma_wait3A] : memref<640000x128xf32, #tpu.memory_space<hbm>> -> memref<80x128xf32, #tpu.memory_space<hbm>>
        %dma_wait3A_167 = arith.constant 0 : i32
        %dma_wait3A_168 = tpu.memref_slice %arg2[%add3A_61, %dma_wait3A_167] : memref<640000x128xf32, #tpu.memory_space<hbm>> -> memref<80x128xf32, #tpu.memory_space<hbm>>
        tpu.wait_dma2 semaphore(%arg17 : memref<!tpu.dma_semaphore, #tpu.memory_space<semaphore_mem>>) src(%dma_wait3A_168 : memref<80x128xf32, #tpu.memory_space<hbm>>) dst(%arg9 : memref<80x128xf32, #tpu.memory_space<vmem>>)
        %dma_wait3A_169 = tpu.memref_slice %arg3[%mul3A_0] : memref<160000xi32, #tpu.memory_space<hbm>> -> memref<80xi32, #tpu.memory_space<hbm>>
        %dma_wait3A_170 = tpu.memref_slice %arg3[%mul3A_0] : memref<160000xi32, #tpu.memory_space<hbm>> -> memref<80xi32, #tpu.memory_space<hbm>>
        tpu.wait_dma2 semaphore(%arg17 : memref<!tpu.dma_semaphore, #tpu.memory_space<semaphore_mem>>) src(%dma_wait3A_170 : memref<80xi32, #tpu.memory_space<hbm>>) dst(%arg13 : memref<80xi32, #tpu.memory_space<vmem>>)
        %dma_start3A_171 = arith.constant 0 : i32
        %dma_start3A_172 = arith.constant 0 : i32
        %dma_start3A_173 = tpu.memref_slice %arg6[%dma_start3A_171, %dma_start3A_172] : memref<10000x128xf32, #tpu.memory_space<vmem_shared>> -> memref<10000x128xf32, #tpu.memory_space<vmem_shared>>
        tpu.enqueue_indirect_dma source(%arg9 : memref<80x128xf32, #tpu.memory_space<vmem>>) target(%dma_start3A_173 : memref<10000x128xf32, #tpu.memory_space<vmem_shared>>) offsets(%arg13 : memref<80xi32, #tpu.memory_space<vmem>>) semaphore(%arg21 : memref<!tpu.dma_semaphore, #tpu.memory_space<semaphore_mem>>) {add = true}
      } else {
      }
      %add3A_131 = arith.constant 3 : i32
      %add3A_132 = arith.addi %mul3A_112, %add3A_131 : i32
      %lt3A_133 = arith.constant 125 : i32
      %lt3A_134 = arith.cmpi slt, %add3A_132, %lt3A_133 : i32
      %convert_element_type3A_135 = arith.extui %lt3A_134 : i1 to i32
      %cond3A_136 = arith.constant 0 : i32
      %cond3A_137 = arith.cmpi ne, %convert_element_type3A_135, %cond3A_136 : i32
      scf.if %cond3A_137 {
        %dma_wait3A = arith.constant 0 : i32
        %dma_wait3A_166 = tpu.memref_slice %arg2[%add3A_61, %dma_wait3A] : memref<640000x128xf32, #tpu.memory_space<hbm>> -> memref<80x128xf32, #tpu.memory_space<hbm>>
        %dma_wait3A_167 = arith.constant 0 : i32
        %dma_wait3A_168 = tpu.memref_slice %arg2[%add3A_61, %dma_wait3A_167] : memref<640000x128xf32, #tpu.memory_space<hbm>> -> memref<80x128xf32, #tpu.memory_space<hbm>>
        tpu.wait_dma2 semaphore(%arg18 : memref<!tpu.dma_semaphore, #tpu.memory_space<semaphore_mem>>) src(%dma_wait3A_168 : memref<80x128xf32, #tpu.memory_space<hbm>>) dst(%arg10 : memref<80x128xf32, #tpu.memory_space<vmem>>)
        %dma_wait3A_169 = tpu.memref_slice %arg3[%mul3A_0] : memref<160000xi32, #tpu.memory_space<hbm>> -> memref<80xi32, #tpu.memory_space<hbm>>
        %dma_wait3A_170 = tpu.memref_slice %arg3[%mul3A_0] : memref<160000xi32, #tpu.memory_space<hbm>> -> memref<80xi32, #tpu.memory_space<hbm>>
        tpu.wait_dma2 semaphore(%arg18 : memref<!tpu.dma_semaphore, #tpu.memory_space<semaphore_mem>>) src(%dma_wait3A_170 : memref<80xi32, #tpu.memory_space<hbm>>) dst(%arg14 : memref<80xi32, #tpu.memory_space<vmem>>)
        %dma_start3A_171 = arith.constant 0 : i32
        %dma_start3A_172 = arith.constant 0 : i32
        %dma_start3A_173 = tpu.memref_slice %arg6[%dma_start3A_171, %dma_start3A_172] : memref<10000x128xf32, #tpu.memory_space<vmem_shared>> -> memref<10000x128xf32, #tpu.memory_space<vmem_shared>>
        tpu.enqueue_indirect_dma source(%arg10 : memref<80x128xf32, #tpu.memory_space<vmem>>) target(%dma_start3A_173 : memref<10000x128xf32, #tpu.memory_space<vmem_shared>>) offsets(%arg14 : memref<80xi32, #tpu.memory_space<vmem>>) semaphore(%arg22 : memref<!tpu.dma_semaphore, #tpu.memory_space<semaphore_mem>>) {add = true}
      } else {
      }
      %add3A_138 = arith.constant 0 : i32
      %add3A_139 = arith.addi %mul3A_112, %add3A_138 : i32
      %lt3A_140 = arith.constant 125 : i32
      %lt3A_141 = arith.cmpi slt, %add3A_139, %lt3A_140 : i32
      %convert_element_type3A_142 = arith.extui %lt3A_141 : i1 to i32
      %cond3A_143 = arith.constant 0 : i32
      %cond3A_144 = arith.cmpi ne, %convert_element_type3A_142, %cond3A_143 : i32
      scf.if %cond3A_144 {
        %dma_wait3A = arith.constant 0 : i32
        %dma_wait3A_166 = arith.constant 0 : i32
        %dma_wait3A_167 = tpu.memref_slice %arg6[%dma_wait3A, %dma_wait3A_166] : memref<10000x128xf32, #tpu.memory_space<vmem_shared>> -> memref<10000x128xf32, #tpu.memory_space<vmem_shared>>
        tpu.wait_indirect_dma semaphore(%arg19 : memref<!tpu.dma_semaphore, #tpu.memory_space<semaphore_mem>>) src(%arg7 : memref<80x128xf32, #tpu.memory_space<vmem>>) dst(%dma_wait3A_167 : memref<10000x128xf32, #tpu.memory_space<vmem_shared>>)
        %add3A_168 = arith.constant 0 : i32
        %add3A_169 = arith.addi %mul3A_112, %add3A_168 : i32
        %add3A_170 = arith.constant 4 : i32
        %add3A_171 = arith.addi %add3A_169, %add3A_170 : i32
        %lt3A_172 = arith.constant 125 : i32
        %lt3A_173 = arith.cmpi slt, %add3A_171, %lt3A_172 : i32
        %convert_element_type3A_174 = arith.extui %lt3A_173 : i1 to i32
        %cond3A_175 = arith.constant 0 : i32
        %cond3A_176 = arith.cmpi ne, %convert_element_type3A_174, %cond3A_175 : i32
        scf.if %cond3A_176 {
          %add3A_177 = arith.constant 4 : i32
          %add3A_178 = arith.addi %mul3A_112, %add3A_177 : i32
          %add3A_179 = arith.constant 0 : i32
          %add3A_180 = arith.addi %add3A_178, %add3A_179 : i32
          %mul3A_181 = arith.constant 80 : i32
          %mul3A_182 = arith.muli %add3A_180, %mul3A_181 : i32
          %add3A_183 = arith.addi %add3A_61, %mul3A_182 : i32
          %dma_start3A_184 = arith.constant 0 : i32
          %dma_start3A_185 = tpu.memref_slice %arg2[%add3A_183, %dma_start3A_184] : memref<640000x128xf32, #tpu.memory_space<hbm>> -> memref<80x128xf32, #tpu.memory_space<hbm>>
          %dma_start3A_186 = arith.constant 0 : i32
          %dma_start3A_187 = tpu.memref_slice %arg2[%add3A_183, %dma_start3A_186] : memref<640000x128xf32, #tpu.memory_space<hbm>> -> memref<80x128xf32, #tpu.memory_space<hbm>>
          tpu.enqueue_dma source(%dma_start3A_187 : memref<80x128xf32, #tpu.memory_space<hbm>>) target(%arg7 : memref<80x128xf32, #tpu.memory_space<vmem>>) target_semaphore(%arg15 : memref<!tpu.dma_semaphore, #tpu.memory_space<semaphore_mem>>)
          %mul3A_188 = arith.constant 80 : i32
          %mul3A_189 = arith.muli %add3A_180, %mul3A_188 : i32
          %add3A_190 = arith.addi %mul3A_0, %mul3A_189 : i32
          %dma_start3A_191 = tpu.memref_slice %arg3[%add3A_190] : memref<160000xi32, #tpu.memory_space<hbm>> -> memref<80xi32, #tpu.memory_space<hbm>>
          %dma_start3A_192 = tpu.memref_slice %arg3[%add3A_190] : memref<160000xi32, #tpu.memory_space<hbm>> -> memref<80xi32, #tpu.memory_space<hbm>>
          tpu.enqueue_dma source(%dma_start3A_192 : memref<80xi32, #tpu.memory_space<hbm>>) target(%arg11 : memref<80xi32, #tpu.memory_space<vmem>>) target_semaphore(%arg15 : memref<!tpu.dma_semaphore, #tpu.memory_space<semaphore_mem>>)
        } else {
        }
      } else {
      }
      %add3A_145 = arith.constant 1 : i32
      %add3A_146 = arith.addi %mul3A_112, %add3A_145 : i32
      %lt3A_147 = arith.constant 125 : i32
      %lt3A_148 = arith.cmpi slt, %add3A_146, %lt3A_147 : i32
      %convert_element_type3A_149 = arith.extui %lt3A_148 : i1 to i32
      %cond3A_150 = arith.constant 0 : i32
      %cond3A_151 = arith.cmpi ne, %convert_element_type3A_149, %cond3A_150 : i32
      scf.if %cond3A_151 {
        %dma_wait3A = arith.constant 0 : i32
        %dma_wait3A_166 = arith.constant 0 : i32
        %dma_wait3A_167 = tpu.memref_slice %arg6[%dma_wait3A, %dma_wait3A_166] : memref<10000x128xf32, #tpu.memory_space<vmem_shared>> -> memref<10000x128xf32, #tpu.memory_space<vmem_shared>>
        tpu.wait_indirect_dma semaphore(%arg20 : memref<!tpu.dma_semaphore, #tpu.memory_space<semaphore_mem>>) src(%arg8 : memref<80x128xf32, #tpu.memory_space<vmem>>) dst(%dma_wait3A_167 : memref<10000x128xf32, #tpu.memory_space<vmem_shared>>)
        %add3A_168 = arith.constant 1 : i32
        %add3A_169 = arith.addi %mul3A_112, %add3A_168 : i32
        %add3A_170 = arith.constant 4 : i32
        %add3A_171 = arith.addi %add3A_169, %add3A_170 : i32
        %lt3A_172 = arith.constant 125 : i32
        %lt3A_173 = arith.cmpi slt, %add3A_171, %lt3A_172 : i32
        %convert_element_type3A_174 = arith.extui %lt3A_173 : i1 to i32
        %cond3A_175 = arith.constant 0 : i32
        %cond3A_176 = arith.cmpi ne, %convert_element_type3A_174, %cond3A_175 : i32
        scf.if %cond3A_176 {
          %add3A_177 = arith.constant 4 : i32
          %add3A_178 = arith.addi %mul3A_112, %add3A_177 : i32
          %add3A_179 = arith.constant 1 : i32
          %add3A_180 = arith.addi %add3A_178, %add3A_179 : i32
          %mul3A_181 = arith.constant 80 : i32
          %mul3A_182 = arith.muli %add3A_180, %mul3A_181 : i32
          %add3A_183 = arith.addi %add3A_61, %mul3A_182 : i32
          %dma_start3A_184 = arith.constant 0 : i32
          %dma_start3A_185 = tpu.memref_slice %arg2[%add3A_183, %dma_start3A_184] : memref<640000x128xf32, #tpu.memory_space<hbm>> -> memref<80x128xf32, #tpu.memory_space<hbm>>
          %dma_start3A_186 = arith.constant 0 : i32
          %dma_start3A_187 = tpu.memref_slice %arg2[%add3A_183, %dma_start3A_186] : memref<640000x128xf32, #tpu.memory_space<hbm>> -> memref<80x128xf32, #tpu.memory_space<hbm>>
          tpu.enqueue_dma source(%dma_start3A_187 : memref<80x128xf32, #tpu.memory_space<hbm>>) target(%arg8 : memref<80x128xf32, #tpu.memory_space<vmem>>) target_semaphore(%arg16 : memref<!tpu.dma_semaphore, #tpu.memory_space<semaphore_mem>>)
          %mul3A_188 = arith.constant 80 : i32
          %mul3A_189 = arith.muli %add3A_180, %mul3A_188 : i32
          %add3A_190 = arith.addi %mul3A_0, %mul3A_189 : i32
          %dma_start3A_191 = tpu.memref_slice %arg3[%add3A_190] : memref<160000xi32, #tpu.memory_space<hbm>> -> memref<80xi32, #tpu.memory_space<hbm>>
          %dma_start3A_192 = tpu.memref_slice %arg3[%add3A_190] : memref<160000xi32, #tpu.memory_space<hbm>> -> memref<80xi32, #tpu.memory_space<hbm>>
          tpu.enqueue_dma source(%dma_start3A_192 : memref<80xi32, #tpu.memory_space<hbm>>) target(%arg12 : memref<80xi32, #tpu.memory_space<vmem>>) target_semaphore(%arg16 : memref<!tpu.dma_semaphore, #tpu.memory_space<semaphore_mem>>)
        } else {
        }
      } else {
      }
      %add3A_152 = arith.constant 2 : i32
      %add3A_153 = arith.addi %mul3A_112, %add3A_152 : i32
      %lt3A_154 = arith.constant 125 : i32
      %lt3A_155 = arith.cmpi slt, %add3A_153, %lt3A_154 : i32
      %convert_element_type3A_156 = arith.extui %lt3A_155 : i1 to i32
      %cond3A_157 = arith.constant 0 : i32
      %cond3A_158 = arith.cmpi ne, %convert_element_type3A_156, %cond3A_157 : i32
      scf.if %cond3A_158 {
        %dma_wait3A = arith.constant 0 : i32
        %dma_wait3A_166 = arith.constant 0 : i32
        %dma_wait3A_167 = tpu.memref_slice %arg6[%dma_wait3A, %dma_wait3A_166] : memref<10000x128xf32, #tpu.memory_space<vmem_shared>> -> memref<10000x128xf32, #tpu.memory_space<vmem_shared>>
        tpu.wait_indirect_dma semaphore(%arg21 : memref<!tpu.dma_semaphore, #tpu.memory_space<semaphore_mem>>) src(%arg9 : memref<80x128xf32, #tpu.memory_space<vmem>>) dst(%dma_wait3A_167 : memref<10000x128xf32, #tpu.memory_space<vmem_shared>>)
        %add3A_168 = arith.constant 2 : i32
        %add3A_169 = arith.addi %mul3A_112, %add3A_168 : i32
        %add3A_170 = arith.constant 4 : i32
        %add3A_171 = arith.addi %add3A_169, %add3A_170 : i32
        %lt3A_172 = arith.constant 125 : i32
        %lt3A_173 = arith.cmpi slt, %add3A_171, %lt3A_172 : i32
        %convert_element_type3A_174 = arith.extui %lt3A_173 : i1 to i32
        %cond3A_175 = arith.constant 0 : i32
        %cond3A_176 = arith.cmpi ne, %convert_element_type3A_174, %cond3A_175 : i32
        scf.if %cond3A_176 {
          %add3A_177 = arith.constant 4 : i32
          %add3A_178 = arith.addi %mul3A_112, %add3A_177 : i32
          %add3A_179 = arith.constant 2 : i32
          %add3A_180 = arith.addi %add3A_178, %add3A_179 : i32
          %mul3A_181 = arith.constant 80 : i32
          %mul3A_182 = arith.muli %add3A_180, %mul3A_181 : i32
          %add3A_183 = arith.addi %add3A_61, %mul3A_182 : i32
          %dma_start3A_184 = arith.constant 0 : i32
          %dma_start3A_185 = tpu.memref_slice %arg2[%add3A_183, %dma_start3A_184] : memref<640000x128xf32, #tpu.memory_space<hbm>> -> memref<80x128xf32, #tpu.memory_space<hbm>>
          %dma_start3A_186 = arith.constant 0 : i32
          %dma_start3A_187 = tpu.memref_slice %arg2[%add3A_183, %dma_start3A_186] : memref<640000x128xf32, #tpu.memory_space<hbm>> -> memref<80x128xf32, #tpu.memory_space<hbm>>
          tpu.enqueue_dma source(%dma_start3A_187 : memref<80x128xf32, #tpu.memory_space<hbm>>) target(%arg9 : memref<80x128xf32, #tpu.memory_space<vmem>>) target_semaphore(%arg17 : memref<!tpu.dma_semaphore, #tpu.memory_space<semaphore_mem>>)
          %mul3A_188 = arith.constant 80 : i32
          %mul3A_189 = arith.muli %add3A_180, %mul3A_188 : i32
          %add3A_190 = arith.addi %mul3A_0, %mul3A_189 : i32
          %dma_start3A_191 = tpu.memref_slice %arg3[%add3A_190] : memref<160000xi32, #tpu.memory_space<hbm>> -> memref<80xi32, #tpu.memory_space<hbm>>
          %dma_start3A_192 = tpu.memref_slice %arg3[%add3A_190] : memref<160000xi32, #tpu.memory_space<hbm>> -> memref<80xi32, #tpu.memory_space<hbm>>
          tpu.enqueue_dma source(%dma_start3A_192 : memref<80xi32, #tpu.memory_space<hbm>>) target(%arg13 : memref<80xi32, #tpu.memory_space<vmem>>) target_semaphore(%arg17 : memref<!tpu.dma_semaphore, #tpu.memory_space<semaphore_mem>>)
        } else {
        }
      } else {
      }
      %add3A_159 = arith.constant 3 : i32
      %add3A_160 = arith.addi %mul3A_112, %add3A_159 : i32
      %lt3A_161 = arith.constant 125 : i32
      %lt3A_162 = arith.cmpi slt, %add3A_160, %lt3A_161 : i32
      %convert_element_type3A_163 = arith.extui %lt3A_162 : i1 to i32
      %cond3A_164 = arith.constant 0 : i32
      %cond3A_165 = arith.cmpi ne, %convert_element_type3A_163, %cond3A_164 : i32
      scf.if %cond3A_165 {
        %dma_wait3A = arith.constant 0 : i32
        %dma_wait3A_166 = arith.constant 0 : i32
        %dma_wait3A_167 = tpu.memref_slice %arg6[%dma_wait3A, %dma_wait3A_166] : memref<10000x128xf32, #tpu.memory_space<vmem_shared>> -> memref<10000x128xf32, #tpu.memory_space<vmem_shared>>
        tpu.wait_indirect_dma semaphore(%arg22 : memref<!tpu.dma_semaphore, #tpu.memory_space<semaphore_mem>>) src(%arg10 : memref<80x128xf32, #tpu.memory_space<vmem>>) dst(%dma_wait3A_167 : memref<10000x128xf32, #tpu.memory_space<vmem_shared>>)
        %add3A_168 = arith.constant 3 : i32
        %add3A_169 = arith.addi %mul3A_112, %add3A_168 : i32
        %add3A_170 = arith.constant 4 : i32
        %add3A_171 = arith.addi %add3A_169, %add3A_170 : i32
        %lt3A_172 = arith.constant 125 : i32
        %lt3A_173 = arith.cmpi slt, %add3A_171, %lt3A_172 : i32
        %convert_element_type3A_174 = arith.extui %lt3A_173 : i1 to i32
        %cond3A_175 = arith.constant 0 : i32
        %cond3A_176 = arith.cmpi ne, %convert_element_type3A_174, %cond3A_175 : i32
        scf.if %cond3A_176 {
          %add3A_177 = arith.constant 4 : i32
          %add3A_178 = arith.addi %mul3A_112, %add3A_177 : i32
          %add3A_179 = arith.constant 3 : i32
          %add3A_180 = arith.addi %add3A_178, %add3A_179 : i32
          %mul3A_181 = arith.constant 80 : i32
          %mul3A_182 = arith.muli %add3A_180, %mul3A_181 : i32
          %add3A_183 = arith.addi %add3A_61, %mul3A_182 : i32
          %dma_start3A_184 = arith.constant 0 : i32
          %dma_start3A_185 = tpu.memref_slice %arg2[%add3A_183, %dma_start3A_184] : memref<640000x128xf32, #tpu.memory_space<hbm>> -> memref<80x128xf32, #tpu.memory_space<hbm>>
          %dma_start3A_186 = arith.constant 0 : i32
          %dma_start3A_187 = tpu.memref_slice %arg2[%add3A_183, %dma_start3A_186] : memref<640000x128xf32, #tpu.memory_space<hbm>> -> memref<80x128xf32, #tpu.memory_space<hbm>>
          tpu.enqueue_dma source(%dma_start3A_187 : memref<80x128xf32, #tpu.memory_space<hbm>>) target(%arg10 : memref<80x128xf32, #tpu.memory_space<vmem>>) target_semaphore(%arg18 : memref<!tpu.dma_semaphore, #tpu.memory_space<semaphore_mem>>)
          %mul3A_188 = arith.constant 80 : i32
          %mul3A_189 = arith.muli %add3A_180, %mul3A_188 : i32
          %add3A_190 = arith.addi %mul3A_0, %mul3A_189 : i32
          %dma_start3A_191 = tpu.memref_slice %arg3[%add3A_190] : memref<160000xi32, #tpu.memory_space<hbm>> -> memref<80xi32, #tpu.memory_space<hbm>>
          %dma_start3A_192 = tpu.memref_slice %arg3[%add3A_190] : memref<160000xi32, #tpu.memory_space<hbm>> -> memref<80xi32, #tpu.memory_space<hbm>>
          tpu.enqueue_dma source(%dma_start3A_192 : memref<80xi32, #tpu.memory_space<hbm>>) target(%arg14 : memref<80xi32, #tpu.memory_space<vmem>>) target_semaphore(%arg18 : memref<!tpu.dma_semaphore, #tpu.memory_space<semaphore_mem>>)
        } else {
        }
      } else {
      }
    }
    %scan3A_108 = arith.constant 32 : i32
    %barrier3A_109 = arith.constant 0 : index
    tpu.barrier barrier_id(%barrier3A_109)
    "tpu.region"() ({
      %run_scoped3A = tpu.sem_alloc : memref<!tpu.dma_semaphore, #tpu.memory_space<semaphore_mem>>
      %dma_start3A_110 = arith.constant 0 : i32
      %dma_start3A_111 = tpu.memref_slice %arg5[%min3A_3, %add3A_58, %dma_start3A_110] : memref<10000x4x128xf32, #tpu.memory_space<hbm>> -> memref<632x1x128xf32, #tpu.memory_space<hbm>>
      %dma_start3A_112 = tpu.memref_squeeze %dma_start3A_111 : memref<632x1x128xf32, #tpu.memory_space<hbm>> -> memref<632x128xf32, #tpu.memory_space<hbm>>
      %dma_start3A_113 = arith.constant 0 : i32
      %dma_start3A_114 = tpu.memref_slice %arg6[%min3A_3, %dma_start3A_113] : memref<10000x128xf32, #tpu.memory_space<vmem_shared>> -> memref<632x128xf32, #tpu.memory_space<vmem_shared>>
      tpu.enqueue_dma source(%dma_start3A_114 : memref<632x128xf32, #tpu.memory_space<vmem_shared>>) target(%dma_start3A_112 : memref<632x128xf32, #tpu.memory_space<hbm>>) target_semaphore(%run_scoped3A : memref<!tpu.dma_semaphore, #tpu.memory_space<semaphore_mem>>)
      %dma_wait3A = arith.constant 0 : i32
      %dma_wait3A_115 = tpu.memref_slice %arg5[%min3A_3, %add3A_58, %dma_wait3A] : memref<10000x4x128xf32, #tpu.memory_space<hbm>> -> memref<632x1x128xf32, #tpu.memory_space<hbm>>
      %dma_wait3A_116 = tpu.memref_squeeze %dma_wait3A_115 : memref<632x1x128xf32, #tpu.memory_space<hbm>> -> memref<632x128xf32, #tpu.memory_space<hbm>>
      %dma_wait3A_117 = arith.constant 0 : i32
      %dma_wait3A_118 = tpu.memref_slice %arg6[%min3A_3, %dma_wait3A_117] : memref<10000x128xf32, #tpu.memory_space<vmem_shared>> -> memref<632x128xf32, #tpu.memory_space<vmem_shared>>
      tpu.wait_dma2 semaphore(%run_scoped3A : memref<!tpu.dma_semaphore, #tpu.memory_space<semaphore_mem>>) src(%dma_wait3A_118 : memref<632x128xf32, #tpu.memory_space<vmem_shared>>) dst(%dma_wait3A_116 : memref<632x128xf32, #tpu.memory_space<hbm>>)
      tpu.yield
    }) : () -> ()
    return
  }
}

module attributes {stable_mosaic.version = 14 : i64} {
  func.func @_tc_body(%arg0: i32, %arg1: memref<64x1280xf32, #tpu.memory_space<vmem>>, %arg2: memref<4x1280xf32, #tpu.memory_space<vmem>>, %arg3: memref<4x512xf32, #tpu.memory_space<vmem>>, %arg4: memref<64x64xf32, #tpu.memory_space<vmem>>, %arg5: memref<1x64xf32, #tpu.memory_space<vmem>>, %arg6: memref<1x64xf32, #tpu.memory_space<vmem>>, %arg7: memref<1x64xf32, #tpu.memory_space<vmem>>, %arg8: memref<64x256xf32, #tpu.memory_space<vmem>>, %arg9: memref<1x256xf32, #tpu.memory_space<vmem>>, %arg10: memref<1x128xf32, #tpu.memory_space<vmem>>, %arg11: memref<4x1280x128xf32, #tpu.memory_space<vmem>>) attributes {dimension_semantics = [#tpu.dimension_semantics<arbitrary>], iteration_bounds = array<i64: 125>, scalar_prefetch = 0 : i64, scratch_operands = 0 : i64, tpu.core_type = #tpu.core_type<tc>, window_params = [{transform_indices = @transform_0, window_bounds = array<i64: 64, 1280>}, {transform_indices = @transform_1, window_bounds = array<i64: 4, 1280>}, {pipeline_mode = #tpu.pipeline_mode<synchronous>, transform_indices = @transform_2, window_bounds = array<i64: 4, 512>}, {pipeline_mode = #tpu.pipeline_mode<synchronous>, transform_indices = @transform_3, window_bounds = array<i64: 64, 64>}, {pipeline_mode = #tpu.pipeline_mode<synchronous>, transform_indices = @transform_4, window_bounds = array<i64: 1, 64>}, {pipeline_mode = #tpu.pipeline_mode<synchronous>, transform_indices = @transform_5, window_bounds = array<i64: 1, 64>}, {pipeline_mode = #tpu.pipeline_mode<synchronous>, transform_indices = @transform_6, window_bounds = array<i64: 1, 64>}, {pipeline_mode = #tpu.pipeline_mode<synchronous>, transform_indices = @transform_7, window_bounds = array<i64: 64, 256>}, {pipeline_mode = #tpu.pipeline_mode<synchronous>, transform_indices = @transform_8, window_bounds = array<i64: 1, 256>}, {pipeline_mode = #tpu.pipeline_mode<synchronous>, transform_indices = @transform_9, window_bounds = array<i64: 1, 128>}, {transform_indices = @transform_10, window_bounds = array<i64: 4, 1280, 128>}]} {
    %get3A = arith.constant 0 : index
    %get3A_0 = arith.constant 0 : index
    %get3A_1 = vector.load %arg1[%get3A, %get3A_0] : memref<64x1280xf32, #tpu.memory_space<vmem>>, vector<64x1280xf32>
    %get3A_2 = arith.constant 0 : index
    %get3A_3 = arith.constant 0 : index
    %get3A_4 = vector.load %arg4[%get3A_2, %get3A_3] : memref<64x64xf32, #tpu.memory_space<vmem>>, vector<64x64xf32>
    %dot_general3A = arith.constant dense<0.000000e+00> : vector<1280x64xf32>
    %dot_general3A_5 = tpu.matmul %get3A_1, %get3A_4, %dot_general3A {dimension_numbers = #tpu.dot_dimension_numbers<[0], [1], [1], [0], [0, 1, 1, 0], [], []>, transpose_lhs_hint = false} : vector<64x1280xf32>, vector<64x64xf32>, vector<1280x64xf32> -> vector<1280x64xf32>
    %get3A_6 = arith.constant 0 : index
    %get3A_7 = arith.constant 0 : index
    %get3A_8 = vector.load %arg5[%get3A_6, %get3A_7] : memref<1x64xf32, #tpu.memory_space<vmem>>, vector<1x64xf32>
    %add3A = vector.broadcast %get3A_8 : vector<1x64xf32> to vector<1280x64xf32>
    %add3A_9 = arith.addf %dot_general3A_5, %add3A : vector<1280x64xf32>
    %reduce_sum3A = arith.constant dense<0.000000e+00> : vector<1280xf32>
    %reduce_sum3A_10 = vector.multi_reduction <add>, %add3A_9, %reduce_sum3A [1] : vector<1280x64xf32> to vector<1280xf32>
    %broadcast_in_dim3A = vector.shape_cast %reduce_sum3A_10 : vector<1280xf32> to vector<1280x1xf32>
    %div3A = arith.constant 6.400000e+01 : f32
    %div3A_11 = vector.broadcast %div3A : f32 to vector<1280x1xf32>
    %div3A_12 = arith.divf %broadcast_in_dim3A, %div3A_11 : vector<1280x1xf32>
    %sub3A = vector.broadcast %div3A_12 : vector<1280x1xf32> to vector<1280x64xf32>
    %sub3A_13 = arith.subf %add3A_9, %sub3A : vector<1280x64xf32>
    %mul3A = arith.mulf %sub3A_13, %sub3A_13 : vector<1280x64xf32>
    %reduce_sum3A_14 = arith.constant dense<0.000000e+00> : vector<1280xf32>
    %reduce_sum3A_15 = vector.multi_reduction <add>, %mul3A, %reduce_sum3A_14 [1] : vector<1280x64xf32> to vector<1280xf32>
    %broadcast_in_dim3A_16 = vector.shape_cast %reduce_sum3A_15 : vector<1280xf32> to vector<1280x1xf32>
    %div3A_17 = arith.constant 6.400000e+01 : f32
    %div3A_18 = vector.broadcast %div3A_17 : f32 to vector<1280x1xf32>
    %div3A_19 = arith.divf %broadcast_in_dim3A_16, %div3A_18 : vector<1280x1xf32>
    %add3A_20 = arith.constant 9.99999974E-6 : f32
    %add3A_21 = vector.broadcast %add3A_20 : f32 to vector<1280x1xf32>
    %add3A_22 = arith.addf %div3A_19, %add3A_21 : vector<1280x1xf32>
    %rsqrt3A = math.rsqrt %add3A_22 : vector<1280x1xf32>
    %mul3A_23 = vector.broadcast %rsqrt3A : vector<1280x1xf32> to vector<1280x64xf32>
    %mul3A_24 = arith.mulf %sub3A_13, %mul3A_23 : vector<1280x64xf32>
    %get3A_25 = arith.constant 0 : index
    %get3A_26 = arith.constant 0 : index
    %get3A_27 = vector.load %arg6[%get3A_25, %get3A_26] : memref<1x64xf32, #tpu.memory_space<vmem>>, vector<1x64xf32>
    %mul3A_28 = vector.broadcast %get3A_27 : vector<1x64xf32> to vector<1280x64xf32>
    %mul3A_29 = arith.mulf %mul3A_24, %mul3A_28 : vector<1280x64xf32>
    %get3A_30 = arith.constant 0 : index
    %get3A_31 = arith.constant 0 : index
    %get3A_32 = vector.load %arg7[%get3A_30, %get3A_31] : memref<1x64xf32, #tpu.memory_space<vmem>>, vector<1x64xf32>
    %add3A_33 = vector.broadcast %get3A_32 : vector<1x64xf32> to vector<1280x64xf32>
    %add3A_34 = arith.addf %mul3A_29, %add3A_33 : vector<1280x64xf32>
    %logistic3A = arith.negf %add3A_34 : vector<1280x64xf32>
    %logistic3A_35 = math.exp %logistic3A : vector<1280x64xf32>
    %logistic3A_36 = arith.constant 1.000000e+00 : f32
    %logistic3A_37 = vector.broadcast %logistic3A_36 : f32 to vector<1280x64xf32>
    %logistic3A_38 = arith.addf %logistic3A_37, %logistic3A_35 : vector<1280x64xf32>
    %logistic3A_39 = arith.divf %logistic3A_37, %logistic3A_38 : vector<1280x64xf32>
    %mul3A_40 = arith.mulf %add3A_34, %logistic3A_39 : vector<1280x64xf32>
    %get3A_41 = arith.constant 0 : index
    %get3A_42 = arith.constant 0 : index
    %get3A_43 = vector.load %arg8[%get3A_41, %get3A_42] : memref<64x256xf32, #tpu.memory_space<vmem>>, vector<64x256xf32>
    %dot_general3A_44 = arith.constant dense<0.000000e+00> : vector<1280x256xf32>
    %dot_general3A_45 = tpu.matmul %mul3A_40, %get3A_43, %dot_general3A_44 {dimension_numbers = #tpu.dot_dimension_numbers<[1], [0], [0], [1], [0, 0, 1, 1], [], []>, transpose_lhs_hint = false} : vector<1280x64xf32>, vector<64x256xf32>, vector<1280x256xf32> -> vector<1280x256xf32>
    %get3A_46 = arith.constant 0 : index
    %get3A_47 = arith.constant 0 : index
    %get3A_48 = vector.load %arg9[%get3A_46, %get3A_47] : memref<1x256xf32, #tpu.memory_space<vmem>>, vector<1x256xf32>
    %add3A_49 = vector.broadcast %get3A_48 : vector<1x256xf32> to vector<1280x256xf32>
    %add3A_50 = arith.addf %dot_general3A_45, %add3A_49 : vector<1280x256xf32>
    %get3A_51 = arith.constant 0 : index
    %get3A_52 = arith.constant 0 : index
    %get3A_53 = vector.load %arg2[%get3A_51, %get3A_52] : memref<4x1280xf32, #tpu.memory_space<vmem>>, vector<4x1280xf32>
    %get3A_54 = arith.constant 0 : index
    %get3A_55 = arith.constant 0 : index
    %get3A_56 = vector.load %arg3[%get3A_54, %get3A_55] : memref<4x512xf32, #tpu.memory_space<vmem>>, vector<4x512xf32>
    %dot_general3A_57 = arith.constant dense<0.000000e+00> : vector<1280x512xf32>
    %dot_general3A_58 = tpu.matmul %get3A_53, %get3A_56, %dot_general3A_57 {dimension_numbers = #tpu.dot_dimension_numbers<[0], [0], [1], [1], [0, 1, 1, 1], [], []>, transpose_lhs_hint = false} : vector<4x1280xf32>, vector<4x512xf32>, vector<1280x512xf32> -> vector<1280x512xf32>
    %slice3A = vector.extract_strided_slice %add3A_50 {offsets = [0, 0], sizes = [1280, 128], strides = [1, 1]} : vector<1280x256xf32> to vector<1280x128xf32>
    %slice3A_59 = vector.extract_strided_slice %add3A_50 {offsets = [0, 128], sizes = [1280, 128], strides = [1, 1]} : vector<1280x256xf32> to vector<1280x128xf32>
    %slice3A_60 = vector.extract_strided_slice %dot_general3A_58 {offsets = [0, 0], sizes = [1280, 128], strides = [1, 1]} : vector<1280x512xf32> to vector<1280x128xf32>
    %mul3A_61 = arith.mulf %slice3A_60, %slice3A : vector<1280x128xf32>
    %get3A_62 = arith.constant 0 : index
    %get3A_63 = arith.constant 0 : index
    %get3A_64 = vector.load %arg10[%get3A_62, %get3A_63] : memref<1x128xf32, #tpu.memory_space<vmem>>, vector<1x128xf32>
    %add3A_65 = vector.broadcast %get3A_64 : vector<1x128xf32> to vector<1280x128xf32>
    %add3A_66 = arith.addf %mul3A_61, %add3A_65 : vector<1280x128xf32>
    %swap3A = arith.constant 0 : index
    %swap3A_67 = arith.constant 0 : index
    %swap3A_68 = arith.constant 0 : index
    %swap3A_69 = vector.load %arg11[%swap3A, %swap3A_67, %swap3A_68] : memref<4x1280x128xf32, #tpu.memory_space<vmem>>, vector<1x1280x128xf32>
    %swap3A_70 = vector.shape_cast %swap3A_69 : vector<1x1280x128xf32> to vector<1280x128xf32>
    %swap3A_71 = vector.shape_cast %add3A_66 : vector<1280x128xf32> to vector<1x1280x128xf32>
    tpu.vector_store %arg11[%swap3A, %swap3A_67, %swap3A_68], %swap3A_71 {strides = array<i32>} : memref<4x1280x128xf32, #tpu.memory_space<vmem>>, vector<1x1280x128xf32>,
    %slice3A_72 = vector.extract_strided_slice %dot_general3A_58 {offsets = [0, 128], sizes = [1280, 128], strides = [1, 1]} : vector<1280x512xf32> to vector<1280x128xf32>
    %mul3A_73 = arith.mulf %slice3A_72, %slice3A_59 : vector<1280x128xf32>
    %swap3A_74 = arith.constant 1 : index
    %swap3A_75 = arith.constant 0 : index
    %swap3A_76 = arith.constant 0 : index
    %swap3A_77 = vector.load %arg11[%swap3A_74, %swap3A_75, %swap3A_76] : memref<4x1280x128xf32, #tpu.memory_space<vmem>>, vector<1x1280x128xf32>
    %swap3A_78 = vector.shape_cast %swap3A_77 : vector<1x1280x128xf32> to vector<1280x128xf32>
    %swap3A_79 = vector.shape_cast %mul3A_73 : vector<1280x128xf32> to vector<1x1280x128xf32>
    tpu.vector_store %arg11[%swap3A_74, %swap3A_75, %swap3A_76], %swap3A_79 {strides = array<i32>} : memref<4x1280x128xf32, #tpu.memory_space<vmem>>, vector<1x1280x128xf32>,
    %slice3A_80 = vector.extract_strided_slice %dot_general3A_58 {offsets = [0, 256], sizes = [1280, 128], strides = [1, 1]} : vector<1280x512xf32> to vector<1280x128xf32>
    %mul3A_81 = arith.mulf %slice3A_80, %slice3A_59 : vector<1280x128xf32>
    %swap3A_82 = arith.constant 2 : index
    %swap3A_83 = arith.constant 0 : index
    %swap3A_84 = arith.constant 0 : index
    %swap3A_85 = vector.load %arg11[%swap3A_82, %swap3A_83, %swap3A_84] : memref<4x1280x128xf32, #tpu.memory_space<vmem>>, vector<1x1280x128xf32>
    %swap3A_86 = vector.shape_cast %swap3A_85 : vector<1x1280x128xf32> to vector<1280x128xf32>
    %swap3A_87 = vector.shape_cast %mul3A_81 : vector<1280x128xf32> to vector<1x1280x128xf32>
    tpu.vector_store %arg11[%swap3A_82, %swap3A_83, %swap3A_84], %swap3A_87 {strides = array<i32>} : memref<4x1280x128xf32, #tpu.memory_space<vmem>>, vector<1x1280x128xf32>,
    %slice3A_88 = vector.extract_strided_slice %dot_general3A_58 {offsets = [0, 384], sizes = [1280, 128], strides = [1, 1]} : vector<1280x512xf32> to vector<1280x128xf32>
    %mul3A_89 = arith.mulf %slice3A_88, %slice3A_59 : vector<1280x128xf32>
    %swap3A_90 = arith.constant 3 : index
    %swap3A_91 = arith.constant 0 : index
    %swap3A_92 = arith.constant 0 : index
    %swap3A_93 = vector.load %arg11[%swap3A_90, %swap3A_91, %swap3A_92] : memref<4x1280x128xf32, #tpu.memory_space<vmem>>, vector<1x1280x128xf32>
    %swap3A_94 = vector.shape_cast %swap3A_93 : vector<1x1280x128xf32> to vector<1280x128xf32>
    %swap3A_95 = vector.shape_cast %mul3A_89 : vector<1280x128xf32> to vector<1x1280x128xf32>
    tpu.vector_store %arg11[%swap3A_90, %swap3A_91, %swap3A_92], %swap3A_95 {strides = array<i32>} : memref<4x1280x128xf32, #tpu.memory_space<vmem>>, vector<1x1280x128xf32>,
    return
  }
  func.func @transform_0(%arg0: i32) -> (i32, i32) {
    %c0_i32 = arith.constant 0 : i32
    %c0_i32_0 = arith.constant 0 : i32
    return %c0_i32, %arg0 : i32, i32
  }
  func.func @transform_1(%arg0: i32) -> (i32, i32) {
    %c0_i32 = arith.constant 0 : i32
    %c0_i32_0 = arith.constant 0 : i32
    return %c0_i32, %arg0 : i32, i32
  }
  func.func @transform_2(%arg0: i32) -> (i32, i32) {
    %c0_i32 = arith.constant 0 : i32
    %c0_i32_0 = arith.constant 0 : i32
    %c0_i32_1 = arith.constant 0 : i32
    return %c0_i32, %c0_i32_0 : i32, i32
  }
  func.func @transform_3(%arg0: i32) -> (i32, i32) {
    %c0_i32 = arith.constant 0 : i32
    %c0_i32_0 = arith.constant 0 : i32
    %c0_i32_1 = arith.constant 0 : i32
    return %c0_i32, %c0_i32_0 : i32, i32
  }
  func.func @transform_4(%arg0: i32) -> (i32, i32) {
    %c0_i32 = arith.constant 0 : i32
    %c0_i32_0 = arith.constant 0 : i32
    %c0_i32_1 = arith.constant 0 : i32
    return %c0_i32, %c0_i32_0 : i32, i32
  }
  func.func @transform_5(%arg0: i32) -> (i32, i32) {
    %c0_i32 = arith.constant 0 : i32
    %c0_i32_0 = arith.constant 0 : i32
    %c0_i32_1 = arith.constant 0 : i32
    return %c0_i32, %c0_i32_0 : i32, i32
  }
  func.func @transform_6(%arg0: i32) -> (i32, i32) {
    %c0_i32 = arith.constant 0 : i32
    %c0_i32_0 = arith.constant 0 : i32
    %c0_i32_1 = arith.constant 0 : i32
    return %c0_i32, %c0_i32_0 : i32, i32
  }
  func.func @transform_7(%arg0: i32) -> (i32, i32) {
    %c0_i32 = arith.constant 0 : i32
    %c0_i32_0 = arith.constant 0 : i32
    %c0_i32_1 = arith.constant 0 : i32
    return %c0_i32, %c0_i32_0 : i32, i32
  }
  func.func @transform_8(%arg0: i32) -> (i32, i32) {
    %c0_i32 = arith.constant 0 : i32
    %c0_i32_0 = arith.constant 0 : i32
    %c0_i32_1 = arith.constant 0 : i32
    return %c0_i32, %c0_i32_0 : i32, i32
  }
  func.func @transform_9(%arg0: i32) -> (i32, i32) {
    %c0_i32 = arith.constant 0 : i32
    %c0_i32_0 = arith.constant 0 : i32
    %c0_i32_1 = arith.constant 0 : i32
    return %c0_i32, %c0_i32_0 : i32, i32
  }
  func.func @transform_10(%arg0: i32) -> (i32, i32, i32) {
    %c0_i32 = arith.constant 0 : i32
    %c0_i32_0 = arith.constant 0 : i32
    %c0_i32_1 = arith.constant 0 : i32
    return %c0_i32, %arg0, %c0_i32_0 : i32, i32, i32
  }
}

</mosaic_0001>

<sc_bundles>
// kernel: kernel.4.cloned.1.call-start
scs
__scs_entry_jumppad:
0x0: {  	(pc) =	sbr.rel $0x88, $3  }
0x1: {  	(tag) =	ssettag $0x0;
	lr =	simm.s32 $0x1  }
0x2: {  	[smem:$0x3F94] =	sst lr;
	_ =	strace $0xD0000000  }
0x3: {  	_ = 	snop  }
0x4: {  	_ = 	snop  }
0x5: {  	_ = 	snop  }
0x6: {  	_ = 	snop  }
0x7: {  	_ = 	snop  }
__scs_overlays_trampoline_lowered:
0x8: {  	[smem:$0x3FA3] =	sst s0  }
0x9: {  	[smem:$0x3FA4] =	sst s1  }
0xa: {  	[smem:$0x3FA5] =	sst s2  }
0xb: {  	[smem:$0x3FA6] =	sst s3  }
0xc: {  	[smem:$0x3FA7] =	sst s4  }
0xd: {  	[smem:$0x3FA8] =	sst s5  }
0xe: {  	[smem:$0x3FA9] =	sst s6  }
0xf: {  	[smem:$0x3FAA] =	sst s7  }
0x10: {  	[smem:$0x3FAB] =	sst s8  }
0x11: {  	[smem:$0x3FAC] =	sst s9;
	s0 =	simm.s32 @!p0 $0x0  }
0x12: {  	s1 =	sld [smem:$0x3F92];
	s0 =	simm.s32 @p0 $0x1  }
0x13: {  	[smem:$0x3FAD] =	sst s0;
	s0 =	simm.s32 @!p1 $0x0  }
0x14: {  	s2 =	sld [smem:$0x3F91];
	s0 =	simm.s32 @p1 $0x1  }
0x15: {  	[smem:$0x3FAE] =	sst s0;
	s0 =	simm.s32 @!p2 $0x0  }
0x16: {  	s3 =	sld [smem:$0x3FDB];
	s0 =	simm.s32 @p2 $0x1  }
0x17: {  	s4 =	simm.s32 $0x1BF5;
	[smem:$0x3FB0] =	sst s0  }
0x18: {  	s0 =	sld [smem:$0x3F93];
	_ =	swait.ge [sflag:s4], $0x0  }
0x19: {  	s7 =	sld [smem:$0x3F94]  }
0x1a: {  	s8 =	sadd.s32 $0xFFFFE003, lr  }
0x1b: {  	s9 =	sadd.s32 $0xFFFFFEF7, lr;
	s5 =	simm.s32 $0xFFFFFFFF;
	p2 =	slt.u32 s8, $0xFFFFF086  }
0x1c: {  	p1 =	slt.u32 s9, $0xF7A;
	s5 =	simm.s32 @!p2 $0x0  }
0x1d: {  	s5 =	simm.s32 @p1 $0x1;
	p0 =	seq.s32 s7, s2  }
0x1e: {  	s7 =	smul.u32 @!p0 $0xF7A, s2;
	p2 =	seq.s32 @!p0 s5, $0x0  }
0x1f: {  	s9 =	smul.u32 $0xF7A, s1;
	s8 =	simm.s32 @!p0 $0x1BF5;
	p2 =	por !p2, p0  }
0x20: {  	[sflag:s8] =	ssyncset.s32 @!p0 $0xFFFFF086;
	s6 =	sadd.s32 @!p0 s3, s7;
	s7 =	simm.s32 @!p0 $0x108  }
0x21: {  	s3 =	sadd.s32 s3, s9;
	s6 =	sadd.s32 @!p0 $0x88, s6;
	s7 =	simm.s32 @p2 $0x1082  }
0x22: {  	[simem:s7], [sflag:s8] =	dma.local @!p0 [hbm:s6], $0xF7A  }
0x23: {  	s9 =	sor.u32 $0xD0000000, s2;
	s6 =	simm.s32 $0x108;
	_ =	swait.ge @!p0 [sflag:s8], $0x0  }
0x24: {  	s3 =	sadd.s32 $0x88, s3;
	s6 =	simm.s32 @!p1 $0x1082;
	[sflag:s4] =	ssyncset.s32 $0xFFFFF086  }
0x25: {  	[simem:s6], [sflag:s4] =	dma.local [hbm:s3], $0xF7A  }
0x26: {  	[smem:$0x3F94] =	sst s1;
	(tag) =	ssettag s2;
	_ =	strace s9  }
0x27: {  	s1 =	sld [smem:$0x3FA4]  }
0x28: {  	s2 =	sld [smem:$0x3FA5]  }
0x29: {  	s4 =	sld [smem:$0x3FA7]  }
0x2a: {  	p0 =	seq.s32 s5, $0x0;
	s5 =	sld [smem:$0x3FA8]  }
0x2b: {  	s6 =	sld [smem:$0x3FA9]  }
0x2c: {  	s7 =	sld [smem:$0x3FAA]  }
0x2d: {  	s3 =	simm.s32 $0x108;
	s8 =	sld [smem:$0x3FAB]  }
0x2e: {  	s3 =	simm.s32 @!p0 $0x1082;
	s9 =	sld [smem:$0x3FAC]  }
0x2f: {  	lr =	sadd.s32 s0, s3;
	s0 =	sld [smem:$0x3FA3]  }
0x30: {  	s3 =	sld [smem:$0x3FA6]  }
0x31: {  	[smem:$0x3FAF] =	sst s10  }
0x32: {  	s10 =	sld [smem:$0x3FAD];
	_ =	sdelay $0x3  }
0x33: {  	p0 =	seq.s32 s10, $0x1;
	s10 =	sld [smem:$0x3FAF];
	_ =	sdelay $0x3  }
0x34: {  	[smem:$0x3FAF] =	sst s10  }
0x35: {  	s10 =	sld [smem:$0x3FAE];
	_ =	sdelay $0x3  }
0x36: {  	p1 =	seq.s32 s10, $0x1;
	s10 =	sld [smem:$0x3FAF];
	_ =	sdelay $0x3  }
0x37: {  	[smem:$0x3FAF] =	sst s10  }
0x38: {  	s10 =	sld [smem:$0x3FB0]  }
0x39: {  	_ = 	snop;
	(pc) =	sbr.ind lr, $3  }
0x3a: {  	_ = 	snop  }
0x3b: {  	_ = 	snop  }
0x3c: {  	p2 =	seq.s32 s10, $0x1;
	s10 =	sld [smem:$0x3FAF]  }
0x3d: {  	_ =	shalt  }
0x3e: {  	_ =	shalt  }
0x3f: {  	_ =	shalt  }
0x40: {  	_ =	shalt  }
0x41: {  	_ =	shalt  }
0x42: {  	_ =	shalt  }
0x43: {  	_ =	shalt  }
0x44: {  	_ =	shalt  }
0x45: {  	_ =	shalt  }
0x46: {  	_ =	shalt  }
0x47: {  	_ =	shalt  }
0x48: {  	_ =	shalt  }
0x49: {  	_ =	shalt  }
0x4a: {  	_ =	shalt  }
0x4b: {  	_ =	shalt  }
0x4c: {  	_ =	shalt  }
0x4d: {  	_ =	shalt  }
0x4e: {  	_ =	shalt  }
0x4f: {  	_ =	shalt  }
0x50: {  	_ =	shalt  }
0x51: {  	_ =	shalt  }
0x52: {  	_ =	shalt  }
0x53: {  	_ =	shalt  }
0x54: {  	_ =	shalt  }
0x55: {  	_ =	shalt  }
0x56: {  	_ =	shalt  }
0x57: {  	_ =	shalt  }
0x58: {  	_ =	shalt  }
0x59: {  	_ =	shalt  }
0x5a: {  	_ =	shalt  }
0x5b: {  	_ =	shalt  }
0x5c: {  	_ =	shalt  }
0x5d: {  	_ =	shalt  }
0x5e: {  	_ =	shalt  }
0x5f: {  	_ =	shalt  }
0x60: {  	_ =	shalt  }
0x61: {  	_ =	shalt  }
0x62: {  	_ =	shalt  }
0x63: {  	_ =	shalt  }
0x64: {  	_ =	shalt  }
0x65: {  	_ =	shalt  }
0x66: {  	_ =	shalt  }
0x67: {  	_ =	shalt  }
0x68: {  	_ =	shalt  }
0x69: {  	_ =	shalt  }
0x6a: {  	_ =	shalt  }
0x6b: {  	_ =	shalt  }
0x6c: {  	_ =	shalt  }
0x6d: {  	_ =	shalt  }
0x6e: {  	_ =	shalt  }
0x6f: {  	_ =	shalt  }
0x70: {  	_ =	shalt  }
0x71: {  	_ =	shalt  }
0x72: {  	_ =	shalt  }
0x73: {  	_ =	shalt  }
0x74: {  	_ =	shalt  }
0x75: {  	_ =	shalt  }
0x76: {  	_ =	shalt  }
0x77: {  	_ =	shalt  }
0x78: {  	_ =	shalt  }
0x79: {  	_ =	shalt  }
0x7a: {  	_ =	shalt  }
0x7b: {  	_ =	shalt  }
0x7c: {  	_ =	shalt  }
0x7d: {  	_ =	shalt  }
0x7e: {  	_ =	shalt  }
0x7f: {  	_ =	shalt  }
0x80: {  	_ =	shalt  }
0x81: {  	_ =	shalt  }
0x82: {  	_ =	shalt  }
0x83: {  	_ =	shalt  }
0x84: {  	_ =	shalt  }
0x85: {  	_ =	shalt  }
0x86: {  	_ =	shalt  }
0x87: {  	_ =	shalt  }
.Lfunc_end0:
.L_simem_size_0:
called_computation_lowered:
.L_overlay_start_0:
0x88: {  	s2 =	sld [smem:$0x3FD9]  }
0x89: {  	s3 =	sld [smem:$0x3FFE];
	_ =	sdelay $0x1  }
0x8a: {  	s1 =	srdreg.scid  }
0x8b: {  	s0 =	sand.u32 $0x1, s1  }
0x8c: {  	s17 =	sshll.u32 s0, $0xA;
	s2 =	sadd.s32 s3, s2  }
0x8d: {  	s2 =	sadd.s32 s2, s17  }
0x8e: {  	[smem:$0x3FBB] =	sst s2  }
0x8f: {  	_ = 	snop  }
0x90: {  	s2 =	sld [smem:$0x3FC7]  }
0x91: {  	s18 =	sld [smem:$0x3FD0];
	(tm) =	ssettm $0x1  }
0x92: {  	s4 =	sld [smem:$0x3FFB];
	_ =	sdelay $0x3  }
0x93: {  	_ =	strace s4  }
0x94: {  	s4 =	sld [smem:$0x3FFC];
	_ =	sdelay $0x3  }
0x95: {  	_ =	strace s4  }
0x96: {  	s4 =	sld [smem:$0x3FFD];
	_ =	sdelay $0x3  }
0x97: {  	_ =	strace s4  }
0x98: {  	_ =	strace $0x8FFFFFFF  }
0x99: {  	s19 =	sld [smem:$0x3FDB];
	_ =	sdelay $0x1  }
0x9a: {  	s5 =	simm.s32 $_scs_section_size  }
0x9b: {  	s6 =	simm.s32 $_size__tile_overlayer_lowered;
	s7 =	simm.s32 $_tile_overlayer_lowered  }
0x9c: {  	s22 =	simm.s32 $0x1BFF;
	s21 =	sshll.u32 s7, $0x1;
	s4 =	sadd.s32 s5, s19  }
0x9d: {  	s8 =	simm.s32 $0x0;
	s20 =	sshll.u32 s6, $0x1;
	s6 =	sadd.s32 s21, s4  }
0x9e: {  	[timem:s8], [sflag:s22] =	dma.local [hbm:s6], s20  }
0x9f: {  	_ =	swait.ge [sflag:s22], s20  }
0xa0: {  	s5 =	ssub.s32 $0x0, s20;
	[sflag:s22] =	ssyncset.done $0x0  }
0xa1: {  	[sflag:s22] =	ssyncadd.s32 s5;
	_ =	sdelay $0x1  }
0xa2: {  	s23 =	simm.s32 $0x1B8B  }
0xa3: {  	_ =	swait.ge [sflag:s23], $0x1  }
0xa4: {  	[sflag:s23] =	ssyncset.done $0x0  }
0xa5: {  	s25 =	simm.s32 $0x1B8E;
	s24 =	sld [smem:$0x3FFE];
	[sflag:s23] =	ssyncadd.s32 $0xFFFFFFFF  }
0xa6: {  	s26 =	simm.s32 $execute0_lowered;
	[smem:$0x3FD2] =	sst s25  }
0xa7: {  	s6 =	sshll.u32 s26, $0x1;
	_ =	strace $0x80000046;
	[dreg:$0x1] =	wrdreg $0xFFFFFFFF  }
0xa8: {  	s28 =	simm.s32 $_size_execute0_lowered;
	s4 =	sadd.s32 s4, s6;
	[dreg:$0x0] =	wrdreg $0x0  }
0xa9: {  	s6 =	sshll.u32 s28, $0x1;
	[dreg:$0x2] =	wrdreg s4  }
0xaa: {  	[dreg:$0x3] =	wrdreg s6  }
0xab: {  	[dreg:$0x4] =	wrdreg $0xC0  }
0xac: {  	_ =	task [dreg:s8], $0x5FFFF  }
0xad: {  	[dreg:$0x1] =	wrdreg $0xFFFFFFFF  }
0xae: {  	[dreg:$0x0] =	wrdreg $0x60  }
0xaf: {  	[dreg:$0x2] =	wrdreg s24  }
0xb0: {  	[dreg:$0x3] =	wrdreg s2  }
0xb1: {  	[dreg:$0x4] =	wrdreg s18  }
0xb2: {  	[dreg:$0x5] =	wrdreg $0x0  }
0xb3: {  	[dreg:$0x6] =	wrdreg $0x9  }
0xb4: {  	_ =	task.clear_ibuf [dreg:s8], $0x7FFFF;
	_ =	strace $0x90000046  }
0xb5: {  	s29 =	simm.s32 $0x9;
	_ =	strace $0x80000048  }
0xb6: {  	_ =	swait.ge [sflag:s29], $0x1  }
0xb7: {  	[sflag:s29] =	ssyncadd.s32 $0xFFFFFFFF  }
0xb8: {  	_ =	strace $0x90000048  }
0xb9: {  	_ =	sfence  }
0xba: {  	s30 =	sld [smem:$0x0];
	_ =	sdelay $0x2  }
0xbb: {  	s31 =	sshll.u32 s1, $0xD;
	s1 =	sshrl.u32 s1, $0x2  }
0xbc: {  	s3 =	sand.u32 $0x4000, s31;
	s1 =	sadd.s32 s1, s30  }
0xbd: {  	s0 =	sor.u32 s3, s0;
	s1 =	sshll.u32 s1, $0x11  }
0xbe: {  	s0 =	sor.u32 s1, s0  }
0xbf: {  	s0 =	sadd.s32 $0x8F2B, s0  }
0xc0: {  	[sflag:s0] =	ssyncadd.remote.s32 $0x1  }
0xc1: {  	_ =	sfence.sel $0xFFFF  }
0xc2: {  	[dreg:$0x0] =	wrdreg $0xFFFFFFFF;
	(pc) =	sbr.abs _section_cstart, $3  }
0xc3: {  	[dreg:$0x1] =	wrdreg $0xFFFFFFFF  }
0xc4: {  	_ =	task.clear_ibuf [dreg:s8], $0x2FFFF;
	_ =	strace $0x9FFFFFFF  }
0xc5: {  	(tm) =	ssettm $0x7FFFFFFF  }
tec
execute0_lowered:
.L_overlay_start_1:
0x0: {  	(tag) =	ssettag $0x1  }
0x1: {  	s0 =	rddreg [dreg:$0x0]  }
0x2: {  	s1 =	rddreg [dreg:$0x1]  }
0x3: {  	s5 =	rddreg [dreg:$0x2]  }
0x4: {  	s2 =	rddreg [dreg:$0x3];
	s18 =	stileid.u32  }
0x5: {  	s3 =	simm.s32 $0x0;
	s6 =	srdreg.scid;
	s4 =	smul.u32 $0x278, s18  }
0x6: {  	s31 =	simm.s32 $0x1D980;
	[smem:$0x7FF] =	sst s3;
	s11 =	smul.u32 $0x2710, s18  }
0x7: {  	s7 =	sadd.s32 $0xA00, s0;
	s9 =	sand.u32 $0x1, s6;
	s26 =	smul.u32 $0x4E2, s18  }
0x8: {  	s19 =	sshll.u32 s18, $0x6;
	s29 =	smul.u32 $0x27100, s18;
	_ =	strace $0x80000047  }
0x9: {  	s6 =	ssub.s32 $0x2, s9;
	s8 =	smul.u32 $0x4E200, s9;
	s14 =	sshll.u32 s9, $0x8  }
0xa: {  	s4 =	smin.u32 s4, $0x2498;
	s15 =	sshrl.u32 s6, $0x1;
	s12 =	sshrl.u32 s11, $0x3  }
0xb: {  	s13 =	sshll.u32 s4, $0x9;
	s4 =	sadd.s32 $0x9C4A00, s0;
	s0 =	ssub.s32 s6, s15  }
0xc: {  	s16 =	sadd.s32 s11, s8;
	s6 =	sor.u32 $0x1C09, s19;
	s8 =	sadd.s32 s1, s12  }
0xd: {  	s15 =	sshllo.u32 s9, $0x1;
	s9 =	smul.u32 $0x4E2000, s9;
	s1 =	sadd.s32 s26, s1  }
0xe: {  	s26 =	simm.s32 $0x1D880;
	s10 =	sshrl.u32 s13, $0x2;
	s20 =	sshll.u32 s16, $0x4  }
0xf: {  	s16 =	smul.u32 $0x27100, s15;
	s12 =	sadd.s32 $0x14, s8;
	s22 =	sor.u32 s14, s13  }
0x10: {  	s14 =	sadd.s32 $0x1E, s8;
	s15 =	sshll.u32 s15, $0x7;
	s0 =	smax.u32 s0, $0x1  }
0x11: {  	s17 =	sadd.s32 s10, s2;
	s24 =	sor.u32 s15, s13;
	[dreg:$0xf] =	wrdreg s0  }
0x12: {  	s0 =	simm.s32 $0x1B080;
	[dreg:$0x5] =	wrdreg s17;
	s17 =	sadd.s32 s7, s20  }
0x13: {  	s13 =	simm.s32 $0x40;
	s10 =	sadd.s32 $0x500, s17;
	[dreg:$0x6] =	wrdreg s17  }
0x14: {  	s15 =	simm.s32 $0x10;
	s21 =	sadd.s32 $0xA00, s17;
	[dreg:$0x7] =	wrdreg s10  }
0x15: {  	s11 =	sadd.s32 s11, s16;
	s17 =	sadd.s32 $0xF00, s17;
	[dreg:$0x8] =	wrdreg s21  }
0x16: {  	s11 =	sshll.u32 s11, $0x4;
	s10 =	sadd.s32 $0xA, s8;
	[dreg:$0x9] =	wrdreg s17  }
0x17: {  	s17 =	sshrl.u32 s22, $0x3;
	s16 =	sadd.s32 s7, s11;
	s11 =	sshrl.u32 s24, $0x3  }
0x18: {  	s7 =	sadd.s32 s9, s7;
	s24 =	simm.s32 $0x9;
	s23 =	sadd.s32 s5, s17  }
0x19: {  	s9 =	simm.s32 $0x50;
	s25 =	sadd.s32 $0x500, s16;
	[dreg:$0xa] =	wrdreg s23  }
.Ltmp0:
0x1a: {  	s28 =	sadd.s32 $0xA00, s16;
	[dreg:$0xb] =	wrdreg s25;
	(pc) =	sbr.rel .LBB2_1-.Ltmp0, $4  }
0x1b: {  	s5 =	sadd.s32 s5, s11;
	s30 =	sadd.s32 $0xF00, s16;
	[dreg:$0xc] =	wrdreg s28  }
0x1c: {  	s22 =	sadd.s32 s29, s7;
	s11 =	simm.s32 $0x5;
	[dreg:$0xd] =	wrdreg s5  }
0x1d: {  	s17 =	simm.s32 $0x0;
	[dreg:$0xe] =	wrdreg s30;
	s23 =	sadd.s32 $0x46, s1  }
0x1e: {  	s25 =	simm.s32 $0x13880;
	s1 =	simm.s32 $0x1DA00;
	s5 =	simm.s32 $0x1  }
.LBB2_7:
0x1f: {  	[bflag:$0x0] =	sbarrier.arrive $0xFFFF  }
0x20: {  	s7 =	rddreg [dreg:$0xd]  }
0x21: {  	[hbm:s7@s13], [sflag:s6] =	dma.strided [spmem:s18@s15], $0x2780, s5, $0x10   }
0x22: {  	_ =	swait.ge [sflag:s24], $0x2780  }
0x23: {  	s17 =	sadd.s32 $0x1, s17;
	s30 =	rddreg [dreg:$0xf]  }
0x24: {  	p0 =	sne.s32 s17, s30  }
.Ltmp1:
0x25: {  	_ = 	snop;
	(pc) =	sbr.rel @!p0 .LBB2_8-.Ltmp1, $3  }
0x26: {  	_ =	sdelay $0x1  }
0x27: {  	[sflag:s24] =	ssyncset.done $0x0  }
0x28: {  	[sflag:s24] =	ssyncadd.s32 $0xFFFFD880  }
.LBB2_1:
0x29: {  	s7 =	rddreg [dreg:$0x5]  }
0x2a: {  	s18 =	sshrl.u32 s7, $0x3  }
0x2b: {  	[spmem:s18], [sflag:s6] =	dma.local [hbm:s4], $0x2780  }
0x2c: {  	_ =	swait.ge [sflag:s24], $0x2780  }
0x2d: {  	[sflag:s24] =	ssyncset.done $0x0  }
0x2e: {  	[sflag:s24] =	ssyncadd.s32 $0xFFFFD880  }
0x2f: {  	[bflag:$0x0] =	sbarrier.arrive $0xFFFF  }
0x30: {  	s19 =	rddreg [dreg:$0x6]  }
0x31: {  	[tilespmem:s25], [sflag:$0x1] =	stream.linear.gather [hbm4b:s19+s3], $0x2800, $0x38;
	[tilespmem:$0x1DA80] =	vst v63  }
0x32: {  	_ = 	snop  }
0x33: {  	[tilespmem:s26], [sflag:$0x1] =	stream.linear.gather [hbm4b:s8+s3], $0x50, $0x38;
	[tilespmem:$0x1DA80] =	vst v63  }
0x34: {  	s20 =	rddreg [dreg:$0x7];
	s19 =	simm.s32 $0x16080  }
0x35: {  	[tilespmem:s19], [sflag:$0x2] =	stream.linear.gather [hbm4b:s20+s3], $0x2800, $0x38;
	[tilespmem:$0x1DA80] =	vst v63  }
0x36: {  	s21 =	simm.s32 $0x1D900  }
0x37: {  	[tilespmem:s21], [sflag:$0x2] =	stream.linear.gather [hbm4b:s10+s3], $0x50, $0x38;
	[tilespmem:$0x1DA80] =	vst v63  }
0x38: {  	s29 =	simm.s32 $0x18880;
	s28 =	rddreg [dreg:$0x8]  }
0x39: {  	[tilespmem:s29], [sflag:$0x3] =	stream.linear.gather [hbm4b:s28+s3], $0x2800, $0x38;
	[tilespmem:$0x1DA80] =	vst v63  }
0x3a: {  	_ = 	snop  }
0x3b: {  	[tilespmem:s31], [sflag:$0x3] =	stream.linear.gather [hbm4b:s12+s3], $0x50, $0x38;
	[tilespmem:$0x1DA80] =	vst v63  }
0x3c: {  	s30 =	rddreg [dreg:$0x9]  }
0x3d: {  	[tilespmem:s0], [sflag:$0x4] =	stream.linear.gather [hbm4b:s30+s3], $0x2800, $0x38;
	[tilespmem:$0x1DA80] =	vst v63  }
0x3e: {  	s7 =	simm.s32 $0x0;
	s19 =	smov.u32 s23;
	s20 =	simm.s32 $0x0  }
0x3f: {  	[tilespmem:s1], [sflag:$0x4] =	stream.linear.gather [hbm4b:s14+s3], $0x50, $0x38;
	[tilespmem:$0x1DA80] =	vst v63  }
.LBB2_2:
0x40: {  	_ =	swait.ge [sflag:s5], $0x2800  }
0x41: {  	[sflag:s5] =	ssyncset.done $0x0  }
0x42: {  	[sflag:s5] =	ssyncadd.s32 $0xFFFFD800  }
0x43: {  	_ =	swait.ge [sflag:s5], $0x50  }
0x44: {  	p0 =	sgt.u32 s20, $0x1E;
	[sflag:s5] =	ssyncset.done $0x0  }
0x45: {  	s21 =	simm.s32 @!p0 $0x2;
	[sflag:s5] =	ssyncadd.s32 $0xFFFFFFB0  }
0x46: {  	[spmem:s2] =	stream.indirect.scatter.add.f32 [tilespmem:s25], [sflag:$0x5], $0x80, s26, s9, $0xb8;
	[tilespmem:$0x1DA80] =	vst v63  }
0x47: {  	_ =	swait.ge @!p0 [sflag:s21], $0x2800  }
0x48: {  	[sflag:s21] =	ssyncset.done @!p0 $0x0  }
0x49: {  	[sflag:s21] =	ssyncadd.s32 @!p0 $0xFFFFD800  }
0x4a: {  	_ =	swait.ge @!p0 [sflag:s21], $0x50  }
0x4b: {  	s28 =	simm.s32 @!p0 $0x1D900;
	[sflag:s21] =	ssyncset.done @!p0 $0x0  }
0x4c: {  	s29 =	simm.s32 @!p0 $0x16080;
	[sflag:s21] =	ssyncadd.s32 @!p0 $0xFFFFFFB0;
	s21 =	simm.s32 @!p0 $0x50  }
0x4d: {  	[spmem:s2] =	stream.indirect.scatter.add.f32 @!p0 [tilespmem:s29], [sflag:$0x6], $0x80, s28, s21, $0xb8;
	[tilespmem:$0x1DA80] =	vst v63  }
0x4e: {  	s28 =	simm.s32 @!p0 $0x3  }
0x4f: {  	_ =	swait.ge @!p0 [sflag:s28], $0x2800  }
0x50: {  	[sflag:s28] =	ssyncset.done @!p0 $0x0  }
0x51: {  	[sflag:s28] =	ssyncadd.s32 @!p0 $0xFFFFD800  }
0x52: {  	_ =	swait.ge @!p0 [sflag:s28], $0x50  }
0x53: {  	[sflag:s28] =	ssyncset.done @!p0 $0x0  }
0x54: {  	s29 =	simm.s32 @!p0 $0x18880;
	[sflag:s28] =	ssyncadd.s32 @!p0 $0xFFFFFFB0;
	s28 =	simm.s32 @!p0 $0x1D980  }
0x55: {  	[spmem:s2] =	stream.indirect.scatter.add.f32 @!p0 [tilespmem:s29], [sflag:$0x7], $0x80, s28, s21, $0xb8;
	[tilespmem:$0x1DA80] =	vst v63  }
0x56: {  	s28 =	simm.s32 @!p0 $0x4  }
0x57: {  	_ =	swait.ge @!p0 [sflag:s28], $0x2800  }
0x58: {  	[sflag:s28] =	ssyncset.done @!p0 $0x0  }
0x59: {  	[sflag:s28] =	ssyncadd.s32 @!p0 $0xFFFFD800  }
0x5a: {  	_ =	swait.ge @!p0 [sflag:s28], $0x50  }
0x5b: {  	p1 =	seq.s32 s7, $0x26C00;
	s29 =	simm.s32 @!p0 $0x1B080;
	[sflag:s28] =	ssyncset.done @!p0 $0x0  }
.Ltmp2:
0x5c: {  	[sflag:s28] =	ssyncadd.s32 @!p0 $0xFFFFFFB0;
	s28 =	simm.s32 @!p0 $0x1DA00;
	(pc) =	sbr.rel @p1 .LBB2_4-.Ltmp2, $4  }
0x5d: {  	[spmem:s2] =	stream.indirect.scatter.add.f32 @!p0 [tilespmem:s29], [sflag:$0x8], $0x80, s28, s21, $0xb8;
	[tilespmem:$0x1DA80] =	vst v63  }
0x5e: {  	_ =	swait.ge [sflag:s11], $0x2800  }
0x5f: {  	[sflag:s11] =	ssyncset.done $0x0  }
0x60: {  	[sflag:s11] =	ssyncadd.s32 $0xFFFFD800  }
0x61: {  	s21 =	sadd.s32 s7, s22  }
0x62: {  	s21 =	sadd.s32 $0x1400, s21  }
0x63: {  	[tilespmem:s25], [sflag:$0x1] =	stream.linear.gather [hbm4b:s21+s3], $0x2800, $0x38;
	[tilespmem:$0x1DA80] =	vst v63  }
0x64: {  	s30 =	sadd.s32 $0xFFFFFFE2, s19;
	s21 =	simm.s32 @!p0 $0x6  }
0x65: {  	[tilespmem:s26], [sflag:$0x1] =	stream.linear.gather [hbm4b:s30+s3], $0x50, $0x38;
	[tilespmem:$0x1DA80] =	vst v63  }
0x66: {  	p1 =	sne.s32 @!p0 s7, $0x25800;
	_ =	swait.ge @!p0 [sflag:s21], $0x2800  }
0x67: {  	p2 =	por !p1, p0;
	[sflag:s21] =	ssyncset.done @!p0 $0x0  }
0x68: {  	[sflag:s21] =	ssyncadd.s32 @!p0 $0xFFFFD800;
	s21 =	sadd.s32 @!p2 s7, s22  }
0x69: {  	s29 =	simm.s32 @!p2 $0x0;
	s30 =	simm.s32 @!p2 $0x16080;
	s28 =	sadd.s32 @!p2 $0x1900, s21  }
0x6a: {  	[tilespmem:s30], [sflag:$0x2] =	stream.linear.gather @!p2 [hbm4b:s28+s29], $0x2800, $0x38;
	[tilespmem:$0x1DA80] =	vst v63  }
0x6b: {  	s28 =	sadd.s32 @!p2 $0xFFFFFFEC, s19;
	s30 =	simm.s32 @!p2 $0x1D900  }
0x6c: {  	[tilespmem:s30], [sflag:$0x2] =	stream.linear.gather @!p2 [hbm4b:s28+s29], $0x50, $0x38;
	[tilespmem:$0x1DA80] =	vst v63  }
0x6d: {  	s28 =	simm.s32 @!p2 $0x7  }
0x6e: {  	_ =	swait.ge @!p2 [sflag:s28], $0x2800  }
0x6f: {  	[sflag:s28] =	ssyncset.done @!p2 $0x0  }
0x70: {  	s30 =	simm.s32 @!p2 $0x18880;
	[sflag:s28] =	ssyncadd.s32 @!p2 $0xFFFFD800;
	s28 =	sadd.s32 @!p2 $0x1E00, s21  }
0x71: {  	[tilespmem:s30], [sflag:$0x3] =	stream.linear.gather @!p2 [hbm4b:s28+s29], $0x2800, $0x38;
	[tilespmem:$0x1DA80] =	vst v63  }
0x72: {  	s28 =	sadd.s32 @!p2 $0xFFFFFFF6, s19;
	s30 =	simm.s32 @!p2 $0x1D980  }
0x73: {  	[tilespmem:s30], [sflag:$0x3] =	stream.linear.gather @!p2 [hbm4b:s28+s29], $0x50, $0x38;
	[tilespmem:$0x1DA80] =	vst v63  }
0x74: {  	s28 =	simm.s32 @!p2 $0x8  }
0x75: {  	_ =	swait.ge @!p2 [sflag:s28], $0x2800  }
0x76: {  	[sflag:s28] =	ssyncset.done @!p2 $0x0  }
0x77: {  	s21 =	sadd.s32 @!p2 $0x2300, s21;
	[sflag:s28] =	ssyncadd.s32 @!p2 $0xFFFFD800;
	s28 =	simm.s32 @!p2 $0x1B080  }
0x78: {  	[tilespmem:s28], [sflag:$0x4] =	stream.linear.gather @!p2 [hbm4b:s21+s29], $0x2800, $0x38;
	[tilespmem:$0x1DA80] =	vst v63  }
0x79: {  	p0 =	por p1, p0;
	s21 =	simm.s32 @!p2 $0x1DA00  }
0x7a: {  	[tilespmem:s21], [sflag:$0x4] =	stream.linear.gather @!p2 [hbm4b:s19+s29], $0x50, $0x38;
	[tilespmem:$0x1DA80] =	vst v63  }
0x7b: {  	s21 =	simm.s32 @!p0 $0x7  }
0x7c: {  	_ =	swait.ge @!p0 [sflag:s21], $0x2800  }
.Ltmp3:
0x7d: {  	[sflag:s21] =	ssyncset.done @!p0 $0x0;
	(pc) =	sbr.rel .LBB2_2-.Ltmp3, $4  }
0x7e: {  	[sflag:s21] =	ssyncadd.s32 @!p0 $0xFFFFD800;
	s21 =	simm.s32 @!p0 $0x8  }
0x7f: {  	_ =	swait.ge @!p0 [sflag:s21], $0x2800  }
0x80: {  	s20 =	sadd.s32 $0x1, s20;
	[sflag:s21] =	ssyncset.done @!p0 $0x0  }
0x81: {  	s7 =	sadd.s32 $0x1400, s7;
	s19 =	sadd.s32 $0x28, s19;
	[sflag:s21] =	ssyncadd.s32 @!p0 $0xFFFFD800  }
.LBB2_4:
0x82: {  	[bflag:$0x0] =	sbarrier.arrive $0xFFFF  }
0x83: {  	s7 =	rddreg [dreg:$0xa]  }
0x84: {  	[hbm:s7@s13], [sflag:s6] =	dma.strided [spmem:s18@s15], $0x2780, s5, $0x10   }
0x85: {  	_ =	swait.ge [sflag:s24], $0x2780  }
0x86: {  	[sflag:s24] =	ssyncset.done $0x0  }
0x87: {  	[sflag:s24] =	ssyncadd.s32 $0xFFFFD880  }
0x88: {  	[spmem:s18], [sflag:s6] =	dma.local [hbm:s4], $0x2780  }
0x89: {  	_ =	swait.ge [sflag:s24], $0x2780  }
0x8a: {  	[sflag:s24] =	ssyncset.done $0x0  }
0x8b: {  	[sflag:s24] =	ssyncadd.s32 $0xFFFFD880  }
0x8c: {  	s19 =	simm.s32 $0x0;
	[bflag:$0x0] =	sbarrier.arrive $0xFFFF  }
0x8d: {  	[tilespmem:s25], [sflag:$0x1] =	stream.linear.gather [hbm4b:s16+s19], $0x2800, $0x38;
	[tilespmem:$0x1DA80] =	vst v63  }
0x8e: {  	_ = 	snop  }
0x8f: {  	[tilespmem:s26], [sflag:$0x1] =	stream.linear.gather [hbm4b:s8+s19], $0x50, $0x38;
	[tilespmem:$0x1DA80] =	vst v63  }
0x90: {  	s20 =	simm.s32 $0x16080;
	s30 =	rddreg [dreg:$0xb]  }
0x91: {  	[tilespmem:s20], [sflag:$0x2] =	stream.linear.gather [hbm4b:s30+s19], $0x2800, $0x38;
	[tilespmem:$0x1DA80] =	vst v63  }
0x92: {  	s21 =	simm.s32 $0x1D900  }
0x93: {  	[tilespmem:s21], [sflag:$0x2] =	stream.linear.gather [hbm4b:s10+s19], $0x50, $0x38;
	[tilespmem:$0x1DA80] =	vst v63  }
0x94: {  	s29 =	simm.s32 $0x18880;
	s28 =	rddreg [dreg:$0xc]  }
0x95: {  	[tilespmem:s29], [sflag:$0x3] =	stream.linear.gather [hbm4b:s28+s19], $0x2800, $0x38;
	[tilespmem:$0x1DA80] =	vst v63  }
0x96: {  	_ = 	snop  }
0x97: {  	[tilespmem:s31], [sflag:$0x3] =	stream.linear.gather [hbm4b:s12+s19], $0x50, $0x38;
	[tilespmem:$0x1DA80] =	vst v63  }
0x98: {  	s30 =	rddreg [dreg:$0xe]  }
0x99: {  	[tilespmem:s0], [sflag:$0x4] =	stream.linear.gather [hbm4b:s30+s19], $0x2800, $0x38;
	[tilespmem:$0x1DA80] =	vst v63  }
0x9a: {  	s7 =	smov.u32 s23;
	s20 =	simm.s32 $0x0  }
0x9b: {  	[tilespmem:s1], [sflag:$0x4] =	stream.linear.gather [hbm4b:s14+s19], $0x50, $0x38;
	[tilespmem:$0x1DA80] =	vst v63  }
.LBB2_5:
0x9c: {  	_ =	swait.ge [sflag:s5], $0x2800  }
0x9d: {  	[sflag:s5] =	ssyncset.done $0x0  }
0x9e: {  	[sflag:s5] =	ssyncadd.s32 $0xFFFFD800  }
0x9f: {  	_ =	swait.ge [sflag:s5], $0x50  }
0xa0: {  	p0 =	sgt.u32 s20, $0x1E;
	[sflag:s5] =	ssyncset.done $0x0  }
0xa1: {  	s21 =	simm.s32 @!p0 $0x2;
	[sflag:s5] =	ssyncadd.s32 $0xFFFFFFB0  }
0xa2: {  	[spmem:s2] =	stream.indirect.scatter.add.f32 [tilespmem:s25], [sflag:$0x5], $0x80, s26, s9, $0xb8;
	[tilespmem:$0x1DA80] =	vst v63  }
0xa3: {  	_ =	swait.ge @!p0 [sflag:s21], $0x2800  }
0xa4: {  	[sflag:s21] =	ssyncset.done @!p0 $0x0  }
0xa5: {  	[sflag:s21] =	ssyncadd.s32 @!p0 $0xFFFFD800  }
0xa6: {  	_ =	swait.ge @!p0 [sflag:s21], $0x50  }
0xa7: {  	s28 =	simm.s32 @!p0 $0x1D900;
	[sflag:s21] =	ssyncset.done @!p0 $0x0  }
0xa8: {  	s29 =	simm.s32 @!p0 $0x16080;
	[sflag:s21] =	ssyncadd.s32 @!p0 $0xFFFFFFB0;
	s21 =	simm.s32 @!p0 $0x50  }
0xa9: {  	[spmem:s2] =	stream.indirect.scatter.add.f32 @!p0 [tilespmem:s29], [sflag:$0x6], $0x80, s28, s21, $0xb8;
	[tilespmem:$0x1DA80] =	vst v63  }
0xaa: {  	s28 =	simm.s32 @!p0 $0x3  }
0xab: {  	_ =	swait.ge @!p0 [sflag:s28], $0x2800  }
0xac: {  	[sflag:s28] =	ssyncset.done @!p0 $0x0  }
0xad: {  	[sflag:s28] =	ssyncadd.s32 @!p0 $0xFFFFD800  }
0xae: {  	_ =	swait.ge @!p0 [sflag:s28], $0x50  }
0xaf: {  	[sflag:s28] =	ssyncset.done @!p0 $0x0  }
0xb0: {  	s29 =	simm.s32 @!p0 $0x18880;
	[sflag:s28] =	ssyncadd.s32 @!p0 $0xFFFFFFB0;
	s28 =	simm.s32 @!p0 $0x1D980  }
0xb1: {  	[spmem:s2] =	stream.indirect.scatter.add.f32 @!p0 [tilespmem:s29], [sflag:$0x7], $0x80, s28, s21, $0xb8;
	[tilespmem:$0x1DA80] =	vst v63  }
0xb2: {  	s28 =	simm.s32 @!p0 $0x4  }
0xb3: {  	_ =	swait.ge @!p0 [sflag:s28], $0x2800  }
0xb4: {  	[sflag:s28] =	ssyncset.done @!p0 $0x0  }
0xb5: {  	[sflag:s28] =	ssyncadd.s32 @!p0 $0xFFFFD800  }
0xb6: {  	_ =	swait.ge @!p0 [sflag:s28], $0x50  }
0xb7: {  	p1 =	seq.s32 s19, $0x26C00;
	s29 =	simm.s32 @!p0 $0x1B080;
	[sflag:s28] =	ssyncset.done @!p0 $0x0  }
.Ltmp4:
0xb8: {  	[sflag:s28] =	ssyncadd.s32 @!p0 $0xFFFFFFB0;
	s28 =	simm.s32 @!p0 $0x1DA00;
	(pc) =	sbr.rel @p1 .LBB2_7-.Ltmp4, $4  }
0xb9: {  	[spmem:s2] =	stream.indirect.scatter.add.f32 @!p0 [tilespmem:s29], [sflag:$0x8], $0x80, s28, s21, $0xb8;
	[tilespmem:$0x1DA80] =	vst v63  }
0xba: {  	_ =	swait.ge [sflag:s11], $0x2800  }
0xbb: {  	[sflag:s11] =	ssyncset.done $0x0  }
0xbc: {  	[sflag:s11] =	ssyncadd.s32 $0xFFFFD800  }
0xbd: {  	s21 =	sadd.s32 s19, s22  }
0xbe: {  	s21 =	sadd.s32 $0x272400, s21  }
0xbf: {  	[tilespmem:s25], [sflag:$0x1] =	stream.linear.gather [hbm4b:s21+s3], $0x2800, $0x38;
	[tilespmem:$0x1DA80] =	vst v63  }
0xc0: {  	s30 =	sadd.s32 $0xFFFFFFE2, s7;
	s21 =	simm.s32 @!p0 $0x6  }
0xc1: {  	[tilespmem:s26], [sflag:$0x1] =	stream.linear.gather [hbm4b:s30+s3], $0x50, $0x38;
	[tilespmem:$0x1DA80] =	vst v63  }
0xc2: {  	p1 =	sne.s32 @!p0 s19, $0x25800;
	_ =	swait.ge @!p0 [sflag:s21], $0x2800  }
0xc3: {  	p2 =	por !p1, p0;
	[sflag:s21] =	ssyncset.done @!p0 $0x0  }
0xc4: {  	[sflag:s21] =	ssyncadd.s32 @!p0 $0xFFFFD800;
	s21 =	sadd.s32 @!p2 s19, s22  }
0xc5: {  	s29 =	simm.s32 @!p2 $0x0;
	s30 =	simm.s32 @!p2 $0x16080;
	s28 =	sadd.s32 @!p2 $0x272900, s21  }
0xc6: {  	[tilespmem:s30], [sflag:$0x2] =	stream.linear.gather @!p2 [hbm4b:s28+s29], $0x2800, $0x38;
	[tilespmem:$0x1DA80] =	vst v63  }
0xc7: {  	s28 =	sadd.s32 @!p2 $0xFFFFFFEC, s7;
	s30 =	simm.s32 @!p2 $0x1D900  }
0xc8: {  	[tilespmem:s30], [sflag:$0x2] =	stream.linear.gather @!p2 [hbm4b:s28+s29], $0x50, $0x38;
	[tilespmem:$0x1DA80] =	vst v63  }
0xc9: {  	s28 =	simm.s32 @!p2 $0x7  }
0xca: {  	_ =	swait.ge @!p2 [sflag:s28], $0x2800  }
0xcb: {  	[sflag:s28] =	ssyncset.done @!p2 $0x0  }
0xcc: {  	s30 =	simm.s32 @!p2 $0x18880;
	[sflag:s28] =	ssyncadd.s32 @!p2 $0xFFFFD800;
	s28 =	sadd.s32 @!p2 $0x272E00, s21  }
0xcd: {  	[tilespmem:s30], [sflag:$0x3] =	stream.linear.gather @!p2 [hbm4b:s28+s29], $0x2800, $0x38;
	[tilespmem:$0x1DA80] =	vst v63  }
0xce: {  	s28 =	sadd.s32 @!p2 $0xFFFFFFF6, s7;
	s30 =	simm.s32 @!p2 $0x1D980  }
0xcf: {  	[tilespmem:s30], [sflag:$0x3] =	stream.linear.gather @!p2 [hbm4b:s28+s29], $0x50, $0x38;
	[tilespmem:$0x1DA80] =	vst v63  }
0xd0: {  	s28 =	simm.s32 @!p2 $0x8  }
0xd1: {  	_ =	swait.ge @!p2 [sflag:s28], $0x2800  }
0xd2: {  	[sflag:s28] =	ssyncset.done @!p2 $0x0  }
0xd3: {  	s21 =	sadd.s32 @!p2 $0x273300, s21;
	[sflag:s28] =	ssyncadd.s32 @!p2 $0xFFFFD800;
	s28 =	simm.s32 @!p2 $0x1B080  }
0xd4: {  	[tilespmem:s28], [sflag:$0x4] =	stream.linear.gather @!p2 [hbm4b:s21+s29], $0x2800, $0x38;
	[tilespmem:$0x1DA80] =	vst v63  }
0xd5: {  	p0 =	por p1, p0;
	s21 =	simm.s32 @!p2 $0x1DA00  }
0xd6: {  	[tilespmem:s21], [sflag:$0x4] =	stream.linear.gather @!p2 [hbm4b:s7+s29], $0x50, $0x38;
	[tilespmem:$0x1DA80] =	vst v63  }
0xd7: {  	s21 =	simm.s32 @!p0 $0x7  }
0xd8: {  	_ =	swait.ge @!p0 [sflag:s21], $0x2800  }
.Ltmp5:
0xd9: {  	[sflag:s21] =	ssyncset.done @!p0 $0x0;
	(pc) =	sbr.rel .LBB2_5-.Ltmp5, $4  }
0xda: {  	[sflag:s21] =	ssyncadd.s32 @!p0 $0xFFFFD800;
	s21 =	simm.s32 @!p0 $0x8  }
0xdb: {  	_ =	swait.ge @!p0 [sflag:s21], $0x2800  }
0xdc: {  	s20 =	sadd.s32 $0x1, s20;
	[sflag:s21] =	ssyncset.done @!p0 $0x0  }
0xdd: {  	s19 =	sadd.s32 $0x1400, s19;
	s7 =	sadd.s32 $0x28, s7;
	[sflag:s21] =	ssyncadd.s32 @!p0 $0xFFFFD800  }
.LBB2_8:
0xde: {  	_ =	sfence.sel $0x180000  }
0xdf: {  	[bflag:$0x0] =	sbarrier.arrive $0xFFFF  }
0xe0: {  	_ =	strace $0x90000047  }
0xe1: {  	s0 =	stileid.u32;
	[bflag:$0x2] =	sbarrier.arrive $0xFFFF  }
0xe2: {  	p0 =	sne.s32 s0, $0x0;
	s0 =	rddreg [dreg:$0x4]  }
0xe3: {  	s0 =	sadd.s32 @!p0 $0x100000, s0  }
0xe4: {  	[sflag:s0] =	ssyncadd.tile.s32 @!p0 $0x1;
	_ =	shalt  }
.Lfunc_end2:
_tile_overlayer_lowered:
.L_overlay_start_2:
0xe5: {  	(tag) =	ssettag $0x2  }
0xe6: {  	s0 =	rddreg [dreg:$0x0];
	s2 =	stileid.u32  }
0xe7: {  	s1 =	rddreg [dreg:$0x1];
	p0 =	sne.s32 s2, $0x0  }
0xe8: {  	s3 =	rddreg [dreg:$0x2];
	[bflag:$0x3] =	sbarrier.arrive $0xFFFF;
	s2 =	simm.s32 @!p0 $0x1C09  }
0xe9: {  	[timem:s3], [sflag:s2] =	dma.local @!p0 [hbm:s0], s1  }
0xea: {  	s0 =	simm.s32 @!p0 $0x9  }
0xeb: {  	_ =	swait.ge @!p0 [sflag:s0], s1  }
0xec: {  	s1 =	ssub.s32 @!p0 $0x0, s1;
	[sflag:s0] =	ssyncset.done @!p0 $0x0  }
0xed: {  	[sflag:s0] =	ssyncadd.s32 @!p0 s1  }
0xee: {  	[bflag:$0x3] =	sbarrier.arrive $0xFFFF  }
0xef: {  	_ =	shalt  }

</sc_bundles>
